<compile_context>
chip_gen: v7x
topology: tpu7x:2x2x1
jax: 0.10.2.dev20260603
libtpu: 0.0.44.dev20260713+nightly
codegen_flags: <defaults>
</compile_context>

<pallas_src>
import functools

import jax
import jax.numpy as jnp
from jax import lax
from jax.experimental import pallas as pl
from jax.experimental.pallas import tpu as pltpu
from jax.experimental.pallas import tpu_sc as plsc

_B, _S, _V = 8, 2048, 4096
_TOK = _B * _S
_NC, _NS, _L = 2, 16, 16
_NW = _NC * _NS
_PW = _TOK // _NW
_G = 128


@functools.partial(
    pl.kernel,
    mesh=plsc.VectorSubcoreMesh(core_axis_name="c", subcore_axis_name="s"),
    out_type=jax.ShapeDtypeStruct((_NW, _L), jnp.float32),
    scratch_types=[
        pltpu.VMEM((_PW,), jnp.int32),
        pltpu.VMEM((_PW,), jnp.int32),
        pltpu.VMEM((_PW,), jnp.float32),
        pltpu.VMEM((_L,), jnp.float32),
    ]
    + [pltpu.SemaphoreType.DMA] * (2 * (_PW // _G)),
)
def _nll_partials(x_hbm, gold_hbm, out_hbm, gold_v, idx_v, val_v, acc_v,
                  *sems):
    wid = lax.axis_index("s") * _NC + lax.axis_index("c")
    base = pl.multiple_of(wid * _PW, _PW)
    gold_copies = [
        pltpu.async_copy(
            gold_hbm.at[pl.ds(base + k * _G, _G)],
            gold_v.at[pl.ds(k * _G, _G)],
            sems[_PW // _G + k],
        )
        for k in range(_PW // _G)
    ]

    lane = lax.iota(jnp.int32, _L)
    tvec = (
        lax.shift_left(lax.shift_right_logical(lane, 3), 15)
        + lax.shift_left(lax.bitwise_and(lane, 7), 7)
    )

    copies = []
    for k in range(_PW // _G):
        gold_copies[k].wait()
        for c in range(k * (_G // _L), (k + 1) * (_G // _L)):
            off = c * _L
            g = gold_v[pl.ds(off, _L)]
            idx_v[pl.ds(off, _L)] = (
                (tvec + lax.shift_left(base + off, 12))
                + lax.shift_left(lax.shift_right_logical(g, 7), 10)
                + lax.bitwise_and(g, 127)
            )
        copies.append(
            pltpu.async_copy(
                x_hbm.at[idx_v.at[pl.ds(k * _G, _G)]],
                val_v.at[pl.ds(k * _G, _G)],
                sems[k],
            )
        )

    acc = jnp.zeros((_L,), jnp.float32)
    for k, cp in enumerate(copies):
        cp.wait()
        for c in range(k * (_G // _L), (k + 1) * (_G // _L)):
            acc = acc + val_v[pl.ds(c * _L, _L)]
    acc_v[...] = acc
    pltpu.sync_copy(acc_v, out_hbm.at[wid])


def kernel(x, gold):
    xt = x.reshape(2048, 8, 32, 128).transpose(0, 2, 1, 3).reshape(-1)
    gf = gold.reshape(-1).astype(jnp.int32)
    partials = _nll_partials(xt, gf)
    return -(jnp.sum(partials) / jnp.float32(_B))

# --- scband reference (transcript-rebuilt; emitter-appended) ---
"""Pipeline reference for scband-seq-nllloss-6725918786294 (READ-ONLY COPY).

The authoritative reference and input builder live on the scoring server;
editing this copy changes nothing except your own understanding.
"""

import jax, jax.numpy as jnp
import numpy as np

B, S, V = 8, 2048, 4096

def setup_inputs(seed: int = 0) -> dict:
    key = jax.random.key(seed)
    k1, k2 = jax.random.split(key)
    x = jax.random.normal(k1, (B, S, V), dtype=jnp.float32)
    gold = jax.random.randint(k2, (B, S), 0, V, dtype=jnp.int64 if jax.config.jax_enable_x64 else jnp.int32)
    return {"x": x, "gold": gold}

def reference(x, gold):
    # SeqNLLLoss with size_average=True, time_average=False (time_agg='sum'),
    # weight=None, ignore_index=None, mask=None.
    b, s, v = x.shape
    xf = x.reshape(b * s, v)
    g = gold.reshape(b * s)
    # NLLLoss._forward: logprobs = -gather(x, 1, gold.unsqueeze(1)).squeeze(1)
    logprobs = -jnp.take_along_axis(xf, g[:, None], axis=1)[:, 0]
    l = logprobs.reshape(b, s).astype(jnp.float32)
    # SeqLoss._forward with time_agg='sum', no ignoremask
    ltotal = l.sum(axis=1)
    # Loss.forward: y.float(), no ignoremask, total = y.size(0), size_average
    loss = ltotal.sum() / b
    return loss

if __name__ == "__main__":
    import jax
    _d = setup_inputs()
    print(jax.jit(kernel)(*tuple(_d.values())))

</pallas_src>

<mosaic_0001>
#map = affine_map<(d0, d1) -> (0)>
#map1 = affine_map<(d0, d1) -> (0, 0)>
module attributes {stable_mosaic.version = 14 : i64} {
  func.func @_nll_partials(%arg0: i32, %arg1: i32, %arg2: memref<67108864xf32, #tpu.memory_space<hbm>>, %arg3: memref<16384xi32, #tpu.memory_space<hbm>>, %arg4: memref<32x16xf32, #tpu.memory_space<hbm>>, %arg5: memref<512xi32, #tpu.memory_space<vmem>>, %arg6: memref<512xi32, #tpu.memory_space<vmem>>, %arg7: memref<512xf32, #tpu.memory_space<vmem>>, %arg8: memref<16xf32, #tpu.memory_space<vmem>>, %arg9: memref<!tpu.dma_semaphore, #tpu.memory_space<semaphore_mem>>, %arg10: memref<!tpu.dma_semaphore, #tpu.memory_space<semaphore_mem>>, %arg11: memref<!tpu.dma_semaphore, #tpu.memory_space<semaphore_mem>>, %arg12: memref<!tpu.dma_semaphore, #tpu.memory_space<semaphore_mem>>, %arg13: memref<!tpu.dma_semaphore, #tpu.memory_space<semaphore_mem>>, %arg14: memref<!tpu.dma_semaphore, #tpu.memory_space<semaphore_mem>>, %arg15: memref<!tpu.dma_semaphore, #tpu.memory_space<semaphore_mem>>, %arg16: memref<!tpu.dma_semaphore, #tpu.memory_space<semaphore_mem>>) attributes {dimension_semantics = [#tpu.dimension_semantics<core_parallel>, #tpu.dimension_semantics<subcore_parallel>], iteration_bounds = array<i64: 2, 16>, scalar_prefetch = 0 : i64, scratch_operands = 12 : i64, tpu.core_type = #tpu.core_type<sc_vector_subcore>, window_params = [{transform_indices = #map}, {transform_indices = #map}, {transform_indices = #map1}]} {
    %mul3A = arith.constant 2 : i32
    %mul3A_0 = arith.muli %arg1, %mul3A : i32
    %add3A = arith.addi %mul3A_0, %arg0 : i32
    %mul3A_1 = arith.constant 512 : i32
    %mul3A_2 = arith.muli %add3A, %mul3A_1 : i32
    %multiple_of3A = tpu.assume_multiple %mul3A_2, 512 : i32
    %add3A_3 = arith.constant 0 : i32
    %add3A_4 = arith.addi %multiple_of3A, %add3A_3 : i32
    %dma_start3A = arith.constant 0 : i32
    %dma_start3A_5 = tpu.memref_slice %arg5[%dma_start3A] : memref<512xi32, #tpu.memory_space<vmem>> -> memref<128xi32, #tpu.memory_space<vmem>>
    %dma_start3A_6 = tpu.memref_slice %arg3[%add3A_4] : memref<16384xi32, #tpu.memory_space<hbm>> -> memref<128xi32, #tpu.memory_space<hbm>>
    %dma_start3A_7 = arith.constant 0 : i32
    %dma_start3A_8 = tpu.memref_slice %arg5[%dma_start3A_7] : memref<512xi32, #tpu.memory_space<vmem>> -> memref<128xi32, #tpu.memory_space<vmem>>
    %dma_start3A_9 = tpu.memref_slice %arg3[%add3A_4] : memref<16384xi32, #tpu.memory_space<hbm>> -> memref<128xi32, #tpu.memory_space<hbm>>
    tpu.enqueue_dma source(%dma_start3A_9 : memref<128xi32, #tpu.memory_space<hbm>>) target(%dma_start3A_8 : memref<128xi32, #tpu.memory_space<vmem>>) target_semaphore(%arg13 : memref<!tpu.dma_semaphore, #tpu.memory_space<semaphore_mem>>)
    %add3A_10 = arith.constant 128 : i32
    %add3A_11 = arith.addi %multiple_of3A, %add3A_10 : i32
    %dma_start3A_12 = arith.constant 128 : i32
    %dma_start3A_13 = tpu.memref_slice %arg5[%dma_start3A_12] : memref<512xi32, #tpu.memory_space<vmem>> -> memref<128xi32, #tpu.memory_space<vmem>>
    %dma_start3A_14 = tpu.memref_slice %arg3[%add3A_11] : memref<16384xi32, #tpu.memory_space<hbm>> -> memref<128xi32, #tpu.memory_space<hbm>>
    %dma_start3A_15 = arith.constant 128 : i32
    %dma_start3A_16 = tpu.memref_slice %arg5[%dma_start3A_15] : memref<512xi32, #tpu.memory_space<vmem>> -> memref<128xi32, #tpu.memory_space<vmem>>
    %dma_start3A_17 = tpu.memref_slice %arg3[%add3A_11] : memref<16384xi32, #tpu.memory_space<hbm>> -> memref<128xi32, #tpu.memory_space<hbm>>
    tpu.enqueue_dma source(%dma_start3A_17 : memref<128xi32, #tpu.memory_space<hbm>>) target(%dma_start3A_16 : memref<128xi32, #tpu.memory_space<vmem>>) target_semaphore(%arg14 : memref<!tpu.dma_semaphore, #tpu.memory_space<semaphore_mem>>)
    %add3A_18 = arith.constant 256 : i32
    %add3A_19 = arith.addi %multiple_of3A, %add3A_18 : i32
    %dma_start3A_20 = arith.constant 256 : i32
    %dma_start3A_21 = tpu.memref_slice %arg5[%dma_start3A_20] : memref<512xi32, #tpu.memory_space<vmem>> -> memref<128xi32, #tpu.memory_space<vmem>>
    %dma_start3A_22 = tpu.memref_slice %arg3[%add3A_19] : memref<16384xi32, #tpu.memory_space<hbm>> -> memref<128xi32, #tpu.memory_space<hbm>>
    %dma_start3A_23 = arith.constant 256 : i32
    %dma_start3A_24 = tpu.memref_slice %arg5[%dma_start3A_23] : memref<512xi32, #tpu.memory_space<vmem>> -> memref<128xi32, #tpu.memory_space<vmem>>
    %dma_start3A_25 = tpu.memref_slice %arg3[%add3A_19] : memref<16384xi32, #tpu.memory_space<hbm>> -> memref<128xi32, #tpu.memory_space<hbm>>
    tpu.enqueue_dma source(%dma_start3A_25 : memref<128xi32, #tpu.memory_space<hbm>>) target(%dma_start3A_24 : memref<128xi32, #tpu.memory_space<vmem>>) target_semaphore(%arg15 : memref<!tpu.dma_semaphore, #tpu.memory_space<semaphore_mem>>)
    %add3A_26 = arith.constant 384 : i32
    %add3A_27 = arith.addi %multiple_of3A, %add3A_26 : i32
    %dma_start3A_28 = arith.constant 384 : i32
    %dma_start3A_29 = tpu.memref_slice %arg5[%dma_start3A_28] : memref<512xi32, #tpu.memory_space<vmem>> -> memref<128xi32, #tpu.memory_space<vmem>>
    %dma_start3A_30 = tpu.memref_slice %arg3[%add3A_27] : memref<16384xi32, #tpu.memory_space<hbm>> -> memref<128xi32, #tpu.memory_space<hbm>>
    %dma_start3A_31 = arith.constant 384 : i32
    %dma_start3A_32 = tpu.memref_slice %arg5[%dma_start3A_31] : memref<512xi32, #tpu.memory_space<vmem>> -> memref<128xi32, #tpu.memory_space<vmem>>
    %dma_start3A_33 = tpu.memref_slice %arg3[%add3A_27] : memref<16384xi32, #tpu.memory_space<hbm>> -> memref<128xi32, #tpu.memory_space<hbm>>
    tpu.enqueue_dma source(%dma_start3A_33 : memref<128xi32, #tpu.memory_space<hbm>>) target(%dma_start3A_32 : memref<128xi32, #tpu.memory_space<vmem>>) target_semaphore(%arg16 : memref<!tpu.dma_semaphore, #tpu.memory_space<semaphore_mem>>)
    %iota3A = tpu.iota {dimensions = array<i32: 0>} : vector<16xi32>
    %shift_right_logical3A = arith.constant 3 : i32
    %shift_right_logical3A_34 = vector.broadcast %shift_right_logical3A : i32 to vector<16xi32>
    %shift_right_logical3A_35 = arith.shrui %iota3A, %shift_right_logical3A_34 : vector<16xi32>
    %shift_left3A = arith.constant 15 : i32
    %shift_left3A_36 = vector.broadcast %shift_left3A : i32 to vector<16xi32>
    %shift_left3A_37 = arith.shli %shift_right_logical3A_35, %shift_left3A_36 : vector<16xi32>
    %and3A = arith.constant 7 : i32
    %and3A_38 = vector.broadcast %and3A : i32 to vector<16xi32>
    %and3A_39 = arith.andi %iota3A, %and3A_38 : vector<16xi32>
    %shift_left3A_40 = arith.constant 7 : i32
    %shift_left3A_41 = vector.broadcast %shift_left3A_40 : i32 to vector<16xi32>
    %shift_left3A_42 = arith.shli %and3A_39, %shift_left3A_41 : vector<16xi32>
    %add3A_43 = arith.addi %shift_left3A_37, %shift_left3A_42 : vector<16xi32>
    %dma_wait3A = arith.constant 0 : i32
    %dma_wait3A_44 = tpu.memref_slice %arg5[%dma_wait3A] : memref<512xi32, #tpu.memory_space<vmem>> -> memref<128xi32, #tpu.memory_space<vmem>>
    %dma_wait3A_45 = tpu.memref_slice %arg3[%add3A_4] : memref<16384xi32, #tpu.memory_space<hbm>> -> memref<128xi32, #tpu.memory_space<hbm>>
    %dma_wait3A_46 = arith.constant 0 : i32
    %dma_wait3A_47 = tpu.memref_slice %arg5[%dma_wait3A_46] : memref<512xi32, #tpu.memory_space<vmem>> -> memref<128xi32, #tpu.memory_space<vmem>>
    %dma_wait3A_48 = tpu.memref_slice %arg3[%add3A_4] : memref<16384xi32, #tpu.memory_space<hbm>> -> memref<128xi32, #tpu.memory_space<hbm>>
    tpu.wait_dma2 semaphore(%arg13 : memref<!tpu.dma_semaphore, #tpu.memory_space<semaphore_mem>>) src(%dma_wait3A_48 : memref<128xi32, #tpu.memory_space<hbm>>) dst(%dma_wait3A_47 : memref<128xi32, #tpu.memory_space<vmem>>)
    %get3A = arith.constant 0 : index
    %get3A_49 = tpu.vector_load %arg5[%get3A] {strides = array<i32>} : memref<512xi32, #tpu.memory_space<vmem>>, vector<16xi32>,
    %get3A_50 = vector.shape_cast %get3A_49 : vector<16xi32> to vector<16xi32>
    %add3A_51 = arith.constant 0 : i32
    %add3A_52 = arith.addi %multiple_of3A, %add3A_51 : i32
    %shift_left3A_53 = arith.constant 12 : i32
    %shift_left3A_54 = arith.shli %add3A_52, %shift_left3A_53 : i32
    %add3A_55 = vector.broadcast %shift_left3A_54 : i32 to vector<16xi32>
    %add3A_56 = arith.addi %add3A_43, %add3A_55 : vector<16xi32>
    %shift_right_logical3A_57 = arith.constant 7 : i32
    %shift_right_logical3A_58 = vector.broadcast %shift_right_logical3A_57 : i32 to vector<16xi32>
    %shift_right_logical3A_59 = arith.shrui %get3A_50, %shift_right_logical3A_58 : vector<16xi32>
    %shift_left3A_60 = arith.constant 10 : i32
    %shift_left3A_61 = vector.broadcast %shift_left3A_60 : i32 to vector<16xi32>
    %shift_left3A_62 = arith.shli %shift_right_logical3A_59, %shift_left3A_61 : vector<16xi32>
    %add3A_63 = arith.addi %add3A_56, %shift_left3A_62 : vector<16xi32>
    %and3A_64 = arith.constant 127 : i32
    %and3A_65 = vector.broadcast %and3A_64 : i32 to vector<16xi32>
    %and3A_66 = arith.andi %get3A_50, %and3A_65 : vector<16xi32>
    %add3A_67 = arith.addi %add3A_63, %and3A_66 : vector<16xi32>
    %swap3A = arith.constant 0 : index
    %swap3A_68 = tpu.vector_load %arg6[%swap3A] {strides = array<i32>} : memref<512xi32, #tpu.memory_space<vmem>>, vector<16xi32>,
    %swap3A_69 = vector.shape_cast %swap3A_68 : vector<16xi32> to vector<16xi32>
    %swap3A_70 = vector.shape_cast %add3A_67 : vector<16xi32> to vector<16xi32>
    tpu.vector_store %arg6[%swap3A], %swap3A_70 {strides = array<i32>} : memref<512xi32, #tpu.memory_space<vmem>>, vector<16xi32>,
    %get3A_71 = arith.constant 16 : index
    %get3A_72 = tpu.vector_load %arg5[%get3A_71] {strides = array<i32>} : memref<512xi32, #tpu.memory_space<vmem>>, vector<16xi32>,
    %get3A_73 = vector.shape_cast %get3A_72 : vector<16xi32> to vector<16xi32>
    %add3A_74 = arith.constant 16 : i32
    %add3A_75 = arith.addi %multiple_of3A, %add3A_74 : i32
    %shift_left3A_76 = arith.constant 12 : i32
    %shift_left3A_77 = arith.shli %add3A_75, %shift_left3A_76 : i32
    %add3A_78 = vector.broadcast %shift_left3A_77 : i32 to vector<16xi32>
    %add3A_79 = arith.addi %add3A_43, %add3A_78 : vector<16xi32>
    %shift_right_logical3A_80 = arith.constant 7 : i32
    %shift_right_logical3A_81 = vector.broadcast %shift_right_logical3A_80 : i32 to vector<16xi32>
    %shift_right_logical3A_82 = arith.shrui %get3A_73, %shift_right_logical3A_81 : vector<16xi32>
    %shift_left3A_83 = arith.constant 10 : i32
    %shift_left3A_84 = vector.broadcast %shift_left3A_83 : i32 to vector<16xi32>
    %shift_left3A_85 = arith.shli %shift_right_logical3A_82, %shift_left3A_84 : vector<16xi32>
    %add3A_86 = arith.addi %add3A_79, %shift_left3A_85 : vector<16xi32>
    %and3A_87 = arith.constant 127 : i32
    %and3A_88 = vector.broadcast %and3A_87 : i32 to vector<16xi32>
    %and3A_89 = arith.andi %get3A_73, %and3A_88 : vector<16xi32>
    %add3A_90 = arith.addi %add3A_86, %and3A_89 : vector<16xi32>
    %swap3A_91 = arith.constant 16 : index
    %swap3A_92 = tpu.vector_load %arg6[%swap3A_91] {strides = array<i32>} : memref<512xi32, #tpu.memory_space<vmem>>, vector<16xi32>,
    %swap3A_93 = vector.shape_cast %swap3A_92 : vector<16xi32> to vector<16xi32>
    %swap3A_94 = vector.shape_cast %add3A_90 : vector<16xi32> to vector<16xi32>
    tpu.vector_store %arg6[%swap3A_91], %swap3A_94 {strides = array<i32>} : memref<512xi32, #tpu.memory_space<vmem>>, vector<16xi32>,
    %get3A_95 = arith.constant 32 : index
    %get3A_96 = tpu.vector_load %arg5[%get3A_95] {strides = array<i32>} : memref<512xi32, #tpu.memory_space<vmem>>, vector<16xi32>,
    %get3A_97 = vector.shape_cast %get3A_96 : vector<16xi32> to vector<16xi32>
    %add3A_98 = arith.constant 32 : i32
    %add3A_99 = arith.addi %multiple_of3A, %add3A_98 : i32
    %shift_left3A_100 = arith.constant 12 : i32
    %shift_left3A_101 = arith.shli %add3A_99, %shift_left3A_100 : i32
    %add3A_102 = vector.broadcast %shift_left3A_101 : i32 to vector<16xi32>
    %add3A_103 = arith.addi %add3A_43, %add3A_102 : vector<16xi32>
    %shift_right_logical3A_104 = arith.constant 7 : i32
    %shift_right_logical3A_105 = vector.broadcast %shift_right_logical3A_104 : i32 to vector<16xi32>
    %shift_right_logical3A_106 = arith.shrui %get3A_97, %shift_right_logical3A_105 : vector<16xi32>
    %shift_left3A_107 = arith.constant 10 : i32
    %shift_left3A_108 = vector.broadcast %shift_left3A_107 : i32 to vector<16xi32>
    %shift_left3A_109 = arith.shli %shift_right_logical3A_106, %shift_left3A_108 : vector<16xi32>
    %add3A_110 = arith.addi %add3A_103, %shift_left3A_109 : vector<16xi32>
    %and3A_111 = arith.constant 127 : i32
    %and3A_112 = vector.broadcast %and3A_111 : i32 to vector<16xi32>
    %and3A_113 = arith.andi %get3A_97, %and3A_112 : vector<16xi32>
    %add3A_114 = arith.addi %add3A_110, %and3A_113 : vector<16xi32>
    %swap3A_115 = arith.constant 32 : index
    %swap3A_116 = tpu.vector_load %arg6[%swap3A_115] {strides = array<i32>} : memref<512xi32, #tpu.memory_space<vmem>>, vector<16xi32>,
    %swap3A_117 = vector.shape_cast %swap3A_116 : vector<16xi32> to vector<16xi32>
    %swap3A_118 = vector.shape_cast %add3A_114 : vector<16xi32> to vector<16xi32>
    tpu.vector_store %arg6[%swap3A_115], %swap3A_118 {strides = array<i32>} : memref<512xi32, #tpu.memory_space<vmem>>, vector<16xi32>,
    %get3A_119 = arith.constant 48 : index
    %get3A_120 = tpu.vector_load %arg5[%get3A_119] {strides = array<i32>} : memref<512xi32, #tpu.memory_space<vmem>>, vector<16xi32>,
    %get3A_121 = vector.shape_cast %get3A_120 : vector<16xi32> to vector<16xi32>
    %add3A_122 = arith.constant 48 : i32
    %add3A_123 = arith.addi %multiple_of3A, %add3A_122 : i32
    %shift_left3A_124 = arith.constant 12 : i32
    %shift_left3A_125 = arith.shli %add3A_123, %shift_left3A_124 : i32
    %add3A_126 = vector.broadcast %shift_left3A_125 : i32 to vector<16xi32>
    %add3A_127 = arith.addi %add3A_43, %add3A_126 : vector<16xi32>
    %shift_right_logical3A_128 = arith.constant 7 : i32
    %shift_right_logical3A_129 = vector.broadcast %shift_right_logical3A_128 : i32 to vector<16xi32>
    %shift_right_logical3A_130 = arith.shrui %get3A_121, %shift_right_logical3A_129 : vector<16xi32>
    %shift_left3A_131 = arith.constant 10 : i32
    %shift_left3A_132 = vector.broadcast %shift_left3A_131 : i32 to vector<16xi32>
    %shift_left3A_133 = arith.shli %shift_right_logical3A_130, %shift_left3A_132 : vector<16xi32>
    %add3A_134 = arith.addi %add3A_127, %shift_left3A_133 : vector<16xi32>
    %and3A_135 = arith.constant 127 : i32
    %and3A_136 = vector.broadcast %and3A_135 : i32 to vector<16xi32>
    %and3A_137 = arith.andi %get3A_121, %and3A_136 : vector<16xi32>
    %add3A_138 = arith.addi %add3A_134, %and3A_137 : vector<16xi32>
    %swap3A_139 = arith.constant 48 : index
    %swap3A_140 = tpu.vector_load %arg6[%swap3A_139] {strides = array<i32>} : memref<512xi32, #tpu.memory_space<vmem>>, vector<16xi32>,
    %swap3A_141 = vector.shape_cast %swap3A_140 : vector<16xi32> to vector<16xi32>
    %swap3A_142 = vector.shape_cast %add3A_138 : vector<16xi32> to vector<16xi32>
    tpu.vector_store %arg6[%swap3A_139], %swap3A_142 {strides = array<i32>} : memref<512xi32, #tpu.memory_space<vmem>>, vector<16xi32>,
    %get3A_143 = arith.constant 64 : index
    %get3A_144 = tpu.vector_load %arg5[%get3A_143] {strides = array<i32>} : memref<512xi32, #tpu.memory_space<vmem>>, vector<16xi32>,
    %get3A_145 = vector.shape_cast %get3A_144 : vector<16xi32> to vector<16xi32>
    %add3A_146 = arith.constant 64 : i32
    %add3A_147 = arith.addi %multiple_of3A, %add3A_146 : i32
    %shift_left3A_148 = arith.constant 12 : i32
    %shift_left3A_149 = arith.shli %add3A_147, %shift_left3A_148 : i32
    %add3A_150 = vector.broadcast %shift_left3A_149 : i32 to vector<16xi32>
    %add3A_151 = arith.addi %add3A_43, %add3A_150 : vector<16xi32>
    %shift_right_logical3A_152 = arith.constant 7 : i32
    %shift_right_logical3A_153 = vector.broadcast %shift_right_logical3A_152 : i32 to vector<16xi32>
    %shift_right_logical3A_154 = arith.shrui %get3A_145, %shift_right_logical3A_153 : vector<16xi32>
    %shift_left3A_155 = arith.constant 10 : i32
    %shift_left3A_156 = vector.broadcast %shift_left3A_155 : i32 to vector<16xi32>
    %shift_left3A_157 = arith.shli %shift_right_logical3A_154, %shift_left3A_156 : vector<16xi32>
    %add3A_158 = arith.addi %add3A_151, %shift_left3A_157 : vector<16xi32>
    %and3A_159 = arith.constant 127 : i32
    %and3A_160 = vector.broadcast %and3A_159 : i32 to vector<16xi32>
    %and3A_161 = arith.andi %get3A_145, %and3A_160 : vector<16xi32>
    %add3A_162 = arith.addi %add3A_158, %and3A_161 : vector<16xi32>
    %swap3A_163 = arith.constant 64 : index
    %swap3A_164 = tpu.vector_load %arg6[%swap3A_163] {strides = array<i32>} : memref<512xi32, #tpu.memory_space<vmem>>, vector<16xi32>,
    %swap3A_165 = vector.shape_cast %swap3A_164 : vector<16xi32> to vector<16xi32>
    %swap3A_166 = vector.shape_cast %add3A_162 : vector<16xi32> to vector<16xi32>
    tpu.vector_store %arg6[%swap3A_163], %swap3A_166 {strides = array<i32>} : memref<512xi32, #tpu.memory_space<vmem>>, vector<16xi32>,
    %get3A_167 = arith.constant 80 : index
    %get3A_168 = tpu.vector_load %arg5[%get3A_167] {strides = array<i32>} : memref<512xi32, #tpu.memory_space<vmem>>, vector<16xi32>,
    %get3A_169 = vector.shape_cast %get3A_168 : vector<16xi32> to vector<16xi32>
    %add3A_170 = arith.constant 80 : i32
    %add3A_171 = arith.addi %multiple_of3A, %add3A_170 : i32
    %shift_left3A_172 = arith.constant 12 : i32
    %shift_left3A_173 = arith.shli %add3A_171, %shift_left3A_172 : i32
    %add3A_174 = vector.broadcast %shift_left3A_173 : i32 to vector<16xi32>
    %add3A_175 = arith.addi %add3A_43, %add3A_174 : vector<16xi32>
    %shift_right_logical3A_176 = arith.constant 7 : i32
    %shift_right_logical3A_177 = vector.broadcast %shift_right_logical3A_176 : i32 to vector<16xi32>
    %shift_right_logical3A_178 = arith.shrui %get3A_169, %shift_right_logical3A_177 : vector<16xi32>
    %shift_left3A_179 = arith.constant 10 : i32
    %shift_left3A_180 = vector.broadcast %shift_left3A_179 : i32 to vector<16xi32>
    %shift_left3A_181 = arith.shli %shift_right_logical3A_178, %shift_left3A_180 : vector<16xi32>
    %add3A_182 = arith.addi %add3A_175, %shift_left3A_181 : vector<16xi32>
    %and3A_183 = arith.constant 127 : i32
    %and3A_184 = vector.broadcast %and3A_183 : i32 to vector<16xi32>
    %and3A_185 = arith.andi %get3A_169, %and3A_184 : vector<16xi32>
    %add3A_186 = arith.addi %add3A_182, %and3A_185 : vector<16xi32>
    %swap3A_187 = arith.constant 80 : index
    %swap3A_188 = tpu.vector_load %arg6[%swap3A_187] {strides = array<i32>} : memref<512xi32, #tpu.memory_space<vmem>>, vector<16xi32>,
    %swap3A_189 = vector.shape_cast %swap3A_188 : vector<16xi32> to vector<16xi32>
    %swap3A_190 = vector.shape_cast %add3A_186 : vector<16xi32> to vector<16xi32>
    tpu.vector_store %arg6[%swap3A_187], %swap3A_190 {strides = array<i32>} : memref<512xi32, #tpu.memory_space<vmem>>, vector<16xi32>,
    %get3A_191 = arith.constant 96 : index
    %get3A_192 = tpu.vector_load %arg5[%get3A_191] {strides = array<i32>} : memref<512xi32, #tpu.memory_space<vmem>>, vector<16xi32>,
    %get3A_193 = vector.shape_cast %get3A_192 : vector<16xi32> to vector<16xi32>
    %add3A_194 = arith.constant 96 : i32
    %add3A_195 = arith.addi %multiple_of3A, %add3A_194 : i32
    %shift_left3A_196 = arith.constant 12 : i32
    %shift_left3A_197 = arith.shli %add3A_195, %shift_left3A_196 : i32
    %add3A_198 = vector.broadcast %shift_left3A_197 : i32 to vector<16xi32>
    %add3A_199 = arith.addi %add3A_43, %add3A_198 : vector<16xi32>
    %shift_right_logical3A_200 = arith.constant 7 : i32
    %shift_right_logical3A_201 = vector.broadcast %shift_right_logical3A_200 : i32 to vector<16xi32>
    %shift_right_logical3A_202 = arith.shrui %get3A_193, %shift_right_logical3A_201 : vector<16xi32>
    %shift_left3A_203 = arith.constant 10 : i32
    %shift_left3A_204 = vector.broadcast %shift_left3A_203 : i32 to vector<16xi32>
    %shift_left3A_205 = arith.shli %shift_right_logical3A_202, %shift_left3A_204 : vector<16xi32>
    %add3A_206 = arith.addi %add3A_199, %shift_left3A_205 : vector<16xi32>
    %and3A_207 = arith.constant 127 : i32
    %and3A_208 = vector.broadcast %and3A_207 : i32 to vector<16xi32>
    %and3A_209 = arith.andi %get3A_193, %and3A_208 : vector<16xi32>
    %add3A_210 = arith.addi %add3A_206, %and3A_209 : vector<16xi32>
    %swap3A_211 = arith.constant 96 : index
    %swap3A_212 = tpu.vector_load %arg6[%swap3A_211] {strides = array<i32>} : memref<512xi32, #tpu.memory_space<vmem>>, vector<16xi32>,
    %swap3A_213 = vector.shape_cast %swap3A_212 : vector<16xi32> to vector<16xi32>
    %swap3A_214 = vector.shape_cast %add3A_210 : vector<16xi32> to vector<16xi32>
    tpu.vector_store %arg6[%swap3A_211], %swap3A_214 {strides = array<i32>} : memref<512xi32, #tpu.memory_space<vmem>>, vector<16xi32>,
    %get3A_215 = arith.constant 112 : index
    %get3A_216 = tpu.vector_load %arg5[%get3A_215] {strides = array<i32>} : memref<512xi32, #tpu.memory_space<vmem>>, vector<16xi32>,
    %get3A_217 = vector.shape_cast %get3A_216 : vector<16xi32> to vector<16xi32>
    %add3A_218 = arith.constant 112 : i32
    %add3A_219 = arith.addi %multiple_of3A, %add3A_218 : i32
    %shift_left3A_220 = arith.constant 12 : i32
    %shift_left3A_221 = arith.shli %add3A_219, %shift_left3A_220 : i32
    %add3A_222 = vector.broadcast %shift_left3A_221 : i32 to vector<16xi32>
    %add3A_223 = arith.addi %add3A_43, %add3A_222 : vector<16xi32>
    %shift_right_logical3A_224 = arith.constant 7 : i32
    %shift_right_logical3A_225 = vector.broadcast %shift_right_logical3A_224 : i32 to vector<16xi32>
    %shift_right_logical3A_226 = arith.shrui %get3A_217, %shift_right_logical3A_225 : vector<16xi32>
    %shift_left3A_227 = arith.constant 10 : i32
    %shift_left3A_228 = vector.broadcast %shift_left3A_227 : i32 to vector<16xi32>
    %shift_left3A_229 = arith.shli %shift_right_logical3A_226, %shift_left3A_228 : vector<16xi32>
    %add3A_230 = arith.addi %add3A_223, %shift_left3A_229 : vector<16xi32>
    %and3A_231 = arith.constant 127 : i32
    %and3A_232 = vector.broadcast %and3A_231 : i32 to vector<16xi32>
    %and3A_233 = arith.andi %get3A_217, %and3A_232 : vector<16xi32>
    %add3A_234 = arith.addi %add3A_230, %and3A_233 : vector<16xi32>
    %swap3A_235 = arith.constant 112 : index
    %swap3A_236 = tpu.vector_load %arg6[%swap3A_235] {strides = array<i32>} : memref<512xi32, #tpu.memory_space<vmem>>, vector<16xi32>,
    %swap3A_237 = vector.shape_cast %swap3A_236 : vector<16xi32> to vector<16xi32>
    %swap3A_238 = vector.shape_cast %add3A_234 : vector<16xi32> to vector<16xi32>
    tpu.vector_store %arg6[%swap3A_235], %swap3A_238 {strides = array<i32>} : memref<512xi32, #tpu.memory_space<vmem>>, vector<16xi32>,
    %dma_start3A_239 = arith.constant 0 : i32
    %dma_start3A_240 = tpu.memref_slice %arg7[%dma_start3A_239] : memref<512xf32, #tpu.memory_space<vmem>> -> memref<128xf32, #tpu.memory_space<vmem>>
    %dma_start3A_241 = arith.constant 0 : i32
    %dma_start3A_242 = tpu.memref_slice %arg6[%dma_start3A_241] : memref<512xi32, #tpu.memory_space<vmem>> -> memref<128xi32, #tpu.memory_space<vmem>>
    %dma_start3A_243 = arith.constant 0 : i32
    %dma_start3A_244 = tpu.memref_slice %arg2[%dma_start3A_243] : memref<67108864xf32, #tpu.memory_space<hbm>> -> memref<67108864xf32, #tpu.memory_space<hbm>>
    tpu.enqueue_indirect_dma source(%dma_start3A_244 : memref<67108864xf32, #tpu.memory_space<hbm>>) target(%dma_start3A_240 : memref<128xf32, #tpu.memory_space<vmem>>) offsets(%dma_start3A_242 : memref<128xi32, #tpu.memory_space<vmem>>) semaphore(%arg9 : memref<!tpu.dma_semaphore, #tpu.memory_space<semaphore_mem>>)
    %dma_wait3A_245 = arith.constant 128 : i32
    %dma_wait3A_246 = tpu.memref_slice %arg5[%dma_wait3A_245] : memref<512xi32, #tpu.memory_space<vmem>> -> memref<128xi32, #tpu.memory_space<vmem>>
    %dma_wait3A_247 = tpu.memref_slice %arg3[%add3A_11] : memref<16384xi32, #tpu.memory_space<hbm>> -> memref<128xi32, #tpu.memory_space<hbm>>
    %dma_wait3A_248 = arith.constant 128 : i32
    %dma_wait3A_249 = tpu.memref_slice %arg5[%dma_wait3A_248] : memref<512xi32, #tpu.memory_space<vmem>> -> memref<128xi32, #tpu.memory_space<vmem>>
    %dma_wait3A_250 = tpu.memref_slice %arg3[%add3A_11] : memref<16384xi32, #tpu.memory_space<hbm>> -> memref<128xi32, #tpu.memory_space<hbm>>
    tpu.wait_dma2 semaphore(%arg14 : memref<!tpu.dma_semaphore, #tpu.memory_space<semaphore_mem>>) src(%dma_wait3A_250 : memref<128xi32, #tpu.memory_space<hbm>>) dst(%dma_wait3A_249 : memref<128xi32, #tpu.memory_space<vmem>>)
    %get3A_251 = arith.constant 128 : index
    %get3A_252 = tpu.vector_load %arg5[%get3A_251] {strides = array<i32>} : memref<512xi32, #tpu.memory_space<vmem>>, vector<16xi32>,
    %get3A_253 = vector.shape_cast %get3A_252 : vector<16xi32> to vector<16xi32>
    %add3A_254 = arith.constant 128 : i32
    %add3A_255 = arith.addi %multiple_of3A, %add3A_254 : i32
    %shift_left3A_256 = arith.constant 12 : i32
    %shift_left3A_257 = arith.shli %add3A_255, %shift_left3A_256 : i32
    %add3A_258 = vector.broadcast %shift_left3A_257 : i32 to vector<16xi32>
    %add3A_259 = arith.addi %add3A_43, %add3A_258 : vector<16xi32>
    %shift_right_logical3A_260 = arith.constant 7 : i32
    %shift_right_logical3A_261 = vector.broadcast %shift_right_logical3A_260 : i32 to vector<16xi32>
    %shift_right_logical3A_262 = arith.shrui %get3A_253, %shift_right_logical3A_261 : vector<16xi32>
    %shift_left3A_263 = arith.constant 10 : i32
    %shift_left3A_264 = vector.broadcast %shift_left3A_263 : i32 to vector<16xi32>
    %shift_left3A_265 = arith.shli %shift_right_logical3A_262, %shift_left3A_264 : vector<16xi32>
    %add3A_266 = arith.addi %add3A_259, %shift_left3A_265 : vector<16xi32>
    %and3A_267 = arith.constant 127 : i32
    %and3A_268 = vector.broadcast %and3A_267 : i32 to vector<16xi32>
    %and3A_269 = arith.andi %get3A_253, %and3A_268 : vector<16xi32>
    %add3A_270 = arith.addi %add3A_266, %and3A_269 : vector<16xi32>
    %swap3A_271 = arith.constant 128 : index
    %swap3A_272 = tpu.vector_load %arg6[%swap3A_271] {strides = array<i32>} : memref<512xi32, #tpu.memory_space<vmem>>, vector<16xi32>,
    %swap3A_273 = vector.shape_cast %swap3A_272 : vector<16xi32> to vector<16xi32>
    %swap3A_274 = vector.shape_cast %add3A_270 : vector<16xi32> to vector<16xi32>
    tpu.vector_store %arg6[%swap3A_271], %swap3A_274 {strides = array<i32>} : memref<512xi32, #tpu.memory_space<vmem>>, vector<16xi32>,
    %get3A_275 = arith.constant 144 : index
    %get3A_276 = tpu.vector_load %arg5[%get3A_275] {strides = array<i32>} : memref<512xi32, #tpu.memory_space<vmem>>, vector<16xi32>,
    %get3A_277 = vector.shape_cast %get3A_276 : vector<16xi32> to vector<16xi32>
    %add3A_278 = arith.constant 144 : i32
    %add3A_279 = arith.addi %multiple_of3A, %add3A_278 : i32
    %shift_left3A_280 = arith.constant 12 : i32
    %shift_left3A_281 = arith.shli %add3A_279, %shift_left3A_280 : i32
    %add3A_282 = vector.broadcast %shift_left3A_281 : i32 to vector<16xi32>
    %add3A_283 = arith.addi %add3A_43, %add3A_282 : vector<16xi32>
    %shift_right_logical3A_284 = arith.constant 7 : i32
    %shift_right_logical3A_285 = vector.broadcast %shift_right_logical3A_284 : i32 to vector<16xi32>
    %shift_right_logical3A_286 = arith.shrui %get3A_277, %shift_right_logical3A_285 : vector<16xi32>
    %shift_left3A_287 = arith.constant 10 : i32
    %shift_left3A_288 = vector.broadcast %shift_left3A_287 : i32 to vector<16xi32>
    %shift_left3A_289 = arith.shli %shift_right_logical3A_286, %shift_left3A_288 : vector<16xi32>
    %add3A_290 = arith.addi %add3A_283, %shift_left3A_289 : vector<16xi32>
    %and3A_291 = arith.constant 127 : i32
    %and3A_292 = vector.broadcast %and3A_291 : i32 to vector<16xi32>
    %and3A_293 = arith.andi %get3A_277, %and3A_292 : vector<16xi32>
    %add3A_294 = arith.addi %add3A_290, %and3A_293 : vector<16xi32>
    %swap3A_295 = arith.constant 144 : index
    %swap3A_296 = tpu.vector_load %arg6[%swap3A_295] {strides = array<i32>} : memref<512xi32, #tpu.memory_space<vmem>>, vector<16xi32>,
    %swap3A_297 = vector.shape_cast %swap3A_296 : vector<16xi32> to vector<16xi32>
    %swap3A_298 = vector.shape_cast %add3A_294 : vector<16xi32> to vector<16xi32>
    tpu.vector_store %arg6[%swap3A_295], %swap3A_298 {strides = array<i32>} : memref<512xi32, #tpu.memory_space<vmem>>, vector<16xi32>,
    %get3A_299 = arith.constant 160 : index
    %get3A_300 = tpu.vector_load %arg5[%get3A_299] {strides = array<i32>} : memref<512xi32, #tpu.memory_space<vmem>>, vector<16xi32>,
    %get3A_301 = vector.shape_cast %get3A_300 : vector<16xi32> to vector<16xi32>
    %add3A_302 = arith.constant 160 : i32
    %add3A_303 = arith.addi %multiple_of3A, %add3A_302 : i32
    %shift_left3A_304 = arith.constant 12 : i32
    %shift_left3A_305 = arith.shli %add3A_303, %shift_left3A_304 : i32
    %add3A_306 = vector.broadcast %shift_left3A_305 : i32 to vector<16xi32>
    %add3A_307 = arith.addi %add3A_43, %add3A_306 : vector<16xi32>
    %shift_right_logical3A_308 = arith.constant 7 : i32
    %shift_right_logical3A_309 = vector.broadcast %shift_right_logical3A_308 : i32 to vector<16xi32>
    %shift_right_logical3A_310 = arith.shrui %get3A_301, %shift_right_logical3A_309 : vector<16xi32>
    %shift_left3A_311 = arith.constant 10 : i32
    %shift_left3A_312 = vector.broadcast %shift_left3A_311 : i32 to vector<16xi32>
    %shift_left3A_313 = arith.shli %shift_right_logical3A_310, %shift_left3A_312 : vector<16xi32>
    %add3A_314 = arith.addi %add3A_307, %shift_left3A_313 : vector<16xi32>
    %and3A_315 = arith.constant 127 : i32
    %and3A_316 = vector.broadcast %and3A_315 : i32 to vector<16xi32>
    %and3A_317 = arith.andi %get3A_301, %and3A_316 : vector<16xi32>
    %add3A_318 = arith.addi %add3A_314, %and3A_317 : vector<16xi32>
    %swap3A_319 = arith.constant 160 : index
    %swap3A_320 = tpu.vector_load %arg6[%swap3A_319] {strides = array<i32>} : memref<512xi32, #tpu.memory_space<vmem>>, vector<16xi32>,
    %swap3A_321 = vector.shape_cast %swap3A_320 : vector<16xi32> to vector<16xi32>
    %swap3A_322 = vector.shape_cast %add3A_318 : vector<16xi32> to vector<16xi32>
    tpu.vector_store %arg6[%swap3A_319], %swap3A_322 {strides = array<i32>} : memref<512xi32, #tpu.memory_space<vmem>>, vector<16xi32>,
    %get3A_323 = arith.constant 176 : index
    %get3A_324 = tpu.vector_load %arg5[%get3A_323] {strides = array<i32>} : memref<512xi32, #tpu.memory_space<vmem>>, vector<16xi32>,
    %get3A_325 = vector.shape_cast %get3A_324 : vector<16xi32> to vector<16xi32>
    %add3A_326 = arith.constant 176 : i32
    %add3A_327 = arith.addi %multiple_of3A, %add3A_326 : i32
    %shift_left3A_328 = arith.constant 12 : i32
    %shift_left3A_329 = arith.shli %add3A_327, %shift_left3A_328 : i32
    %add3A_330 = vector.broadcast %shift_left3A_329 : i32 to vector<16xi32>
    %add3A_331 = arith.addi %add3A_43, %add3A_330 : vector<16xi32>
    %shift_right_logical3A_332 = arith.constant 7 : i32
    %shift_right_logical3A_333 = vector.broadcast %shift_right_logical3A_332 : i32 to vector<16xi32>
    %shift_right_logical3A_334 = arith.shrui %get3A_325, %shift_right_logical3A_333 : vector<16xi32>
    %shift_left3A_335 = arith.constant 10 : i32
    %shift_left3A_336 = vector.broadcast %shift_left3A_335 : i32 to vector<16xi32>
    %shift_left3A_337 = arith.shli %shift_right_logical3A_334, %shift_left3A_336 : vector<16xi32>
    %add3A_338 = arith.addi %add3A_331, %shift_left3A_337 : vector<16xi32>
    %and3A_339 = arith.constant 127 : i32
    %and3A_340 = vector.broadcast %and3A_339 : i32 to vector<16xi32>
    %and3A_341 = arith.andi %get3A_325, %and3A_340 : vector<16xi32>
    %add3A_342 = arith.addi %add3A_338, %and3A_341 : vector<16xi32>
    %swap3A_343 = arith.constant 176 : index
    %swap3A_344 = tpu.vector_load %arg6[%swap3A_343] {strides = array<i32>} : memref<512xi32, #tpu.memory_space<vmem>>, vector<16xi32>,
    %swap3A_345 = vector.shape_cast %swap3A_344 : vector<16xi32> to vector<16xi32>
    %swap3A_346 = vector.shape_cast %add3A_342 : vector<16xi32> to vector<16xi32>
    tpu.vector_store %arg6[%swap3A_343], %swap3A_346 {strides = array<i32>} : memref<512xi32, #tpu.memory_space<vmem>>, vector<16xi32>,
    %get3A_347 = arith.constant 192 : index
    %get3A_348 = tpu.vector_load %arg5[%get3A_347] {strides = array<i32>} : memref<512xi32, #tpu.memory_space<vmem>>, vector<16xi32>,
    %get3A_349 = vector.shape_cast %get3A_348 : vector<16xi32> to vector<16xi32>
    %add3A_350 = arith.constant 192 : i32
    %add3A_351 = arith.addi %multiple_of3A, %add3A_350 : i32
    %shift_left3A_352 = arith.constant 12 : i32
    %shift_left3A_353 = arith.shli %add3A_351, %shift_left3A_352 : i32
    %add3A_354 = vector.broadcast %shift_left3A_353 : i32 to vector<16xi32>
    %add3A_355 = arith.addi %add3A_43, %add3A_354 : vector<16xi32>
    %shift_right_logical3A_356 = arith.constant 7 : i32
    %shift_right_logical3A_357 = vector.broadcast %shift_right_logical3A_356 : i32 to vector<16xi32>
    %shift_right_logical3A_358 = arith.shrui %get3A_349, %shift_right_logical3A_357 : vector<16xi32>
    %shift_left3A_359 = arith.constant 10 : i32
    %shift_left3A_360 = vector.broadcast %shift_left3A_359 : i32 to vector<16xi32>
    %shift_left3A_361 = arith.shli %shift_right_logical3A_358, %shift_left3A_360 : vector<16xi32>
    %add3A_362 = arith.addi %add3A_355, %shift_left3A_361 : vector<16xi32>
    %and3A_363 = arith.constant 127 : i32
    %and3A_364 = vector.broadcast %and3A_363 : i32 to vector<16xi32>
    %and3A_365 = arith.andi %get3A_349, %and3A_364 : vector<16xi32>
    %add3A_366 = arith.addi %add3A_362, %and3A_365 : vector<16xi32>
    %swap3A_367 = arith.constant 192 : index
    %swap3A_368 = tpu.vector_load %arg6[%swap3A_367] {strides = array<i32>} : memref<512xi32, #tpu.memory_space<vmem>>, vector<16xi32>,
    %swap3A_369 = vector.shape_cast %swap3A_368 : vector<16xi32> to vector<16xi32>
    %swap3A_370 = vector.shape_cast %add3A_366 : vector<16xi32> to vector<16xi32>
    tpu.vector_store %arg6[%swap3A_367], %swap3A_370 {strides = array<i32>} : memref<512xi32, #tpu.memory_space<vmem>>, vector<16xi32>,
    %get3A_371 = arith.constant 208 : index
    %get3A_372 = tpu.vector_load %arg5[%get3A_371] {strides = array<i32>} : memref<512xi32, #tpu.memory_space<vmem>>, vector<16xi32>,
    %get3A_373 = vector.shape_cast %get3A_372 : vector<16xi32> to vector<16xi32>
    %add3A_374 = arith.constant 208 : i32
    %add3A_375 = arith.addi %multiple_of3A, %add3A_374 : i32
    %shift_left3A_376 = arith.constant 12 : i32
    %shift_left3A_377 = arith.shli %add3A_375, %shift_left3A_376 : i32
    %add3A_378 = vector.broadcast %shift_left3A_377 : i32 to vector<16xi32>
    %add3A_379 = arith.addi %add3A_43, %add3A_378 : vector<16xi32>
    %shift_right_logical3A_380 = arith.constant 7 : i32
    %shift_right_logical3A_381 = vector.broadcast %shift_right_logical3A_380 : i32 to vector<16xi32>
    %shift_right_logical3A_382 = arith.shrui %get3A_373, %shift_right_logical3A_381 : vector<16xi32>
    %shift_left3A_383 = arith.constant 10 : i32
    %shift_left3A_384 = vector.broadcast %shift_left3A_383 : i32 to vector<16xi32>
    %shift_left3A_385 = arith.shli %shift_right_logical3A_382, %shift_left3A_384 : vector<16xi32>
    %add3A_386 = arith.addi %add3A_379, %shift_left3A_385 : vector<16xi32>
    %and3A_387 = arith.constant 127 : i32
    %and3A_388 = vector.broadcast %and3A_387 : i32 to vector<16xi32>
    %and3A_389 = arith.andi %get3A_373, %and3A_388 : vector<16xi32>
    %add3A_390 = arith.addi %add3A_386, %and3A_389 : vector<16xi32>
    %swap3A_391 = arith.constant 208 : index
    %swap3A_392 = tpu.vector_load %arg6[%swap3A_391] {strides = array<i32>} : memref<512xi32, #tpu.memory_space<vmem>>, vector<16xi32>,
    %swap3A_393 = vector.shape_cast %swap3A_392 : vector<16xi32> to vector<16xi32>
    %swap3A_394 = vector.shape_cast %add3A_390 : vector<16xi32> to vector<16xi32>
    tpu.vector_store %arg6[%swap3A_391], %swap3A_394 {strides = array<i32>} : memref<512xi32, #tpu.memory_space<vmem>>, vector<16xi32>,
    %get3A_395 = arith.constant 224 : index
    %get3A_396 = tpu.vector_load %arg5[%get3A_395] {strides = array<i32>} : memref<512xi32, #tpu.memory_space<vmem>>, vector<16xi32>,
    %get3A_397 = vector.shape_cast %get3A_396 : vector<16xi32> to vector<16xi32>
    %add3A_398 = arith.constant 224 : i32
    %add3A_399 = arith.addi %multiple_of3A, %add3A_398 : i32
    %shift_left3A_400 = arith.constant 12 : i32
    %shift_left3A_401 = arith.shli %add3A_399, %shift_left3A_400 : i32
    %add3A_402 = vector.broadcast %shift_left3A_401 : i32 to vector<16xi32>
    %add3A_403 = arith.addi %add3A_43, %add3A_402 : vector<16xi32>
    %shift_right_logical3A_404 = arith.constant 7 : i32
    %shift_right_logical3A_405 = vector.broadcast %shift_right_logical3A_404 : i32 to vector<16xi32>
    %shift_right_logical3A_406 = arith.shrui %get3A_397, %shift_right_logical3A_405 : vector<16xi32>
    %shift_left3A_407 = arith.constant 10 : i32
    %shift_left3A_408 = vector.broadcast %shift_left3A_407 : i32 to vector<16xi32>
    %shift_left3A_409 = arith.shli %shift_right_logical3A_406, %shift_left3A_408 : vector<16xi32>
    %add3A_410 = arith.addi %add3A_403, %shift_left3A_409 : vector<16xi32>
    %and3A_411 = arith.constant 127 : i32
    %and3A_412 = vector.broadcast %and3A_411 : i32 to vector<16xi32>
    %and3A_413 = arith.andi %get3A_397, %and3A_412 : vector<16xi32>
    %add3A_414 = arith.addi %add3A_410, %and3A_413 : vector<16xi32>
    %swap3A_415 = arith.constant 224 : index
    %swap3A_416 = tpu.vector_load %arg6[%swap3A_415] {strides = array<i32>} : memref<512xi32, #tpu.memory_space<vmem>>, vector<16xi32>,
    %swap3A_417 = vector.shape_cast %swap3A_416 : vector<16xi32> to vector<16xi32>
    %swap3A_418 = vector.shape_cast %add3A_414 : vector<16xi32> to vector<16xi32>
    tpu.vector_store %arg6[%swap3A_415], %swap3A_418 {strides = array<i32>} : memref<512xi32, #tpu.memory_space<vmem>>, vector<16xi32>,
    %get3A_419 = arith.constant 240 : index
    %get3A_420 = tpu.vector_load %arg5[%get3A_419] {strides = array<i32>} : memref<512xi32, #tpu.memory_space<vmem>>, vector<16xi32>,
    %get3A_421 = vector.shape_cast %get3A_420 : vector<16xi32> to vector<16xi32>
    %add3A_422 = arith.constant 240 : i32
    %add3A_423 = arith.addi %multiple_of3A, %add3A_422 : i32
    %shift_left3A_424 = arith.constant 12 : i32
    %shift_left3A_425 = arith.shli %add3A_423, %shift_left3A_424 : i32
    %add3A_426 = vector.broadcast %shift_left3A_425 : i32 to vector<16xi32>
    %add3A_427 = arith.addi %add3A_43, %add3A_426 : vector<16xi32>
    %shift_right_logical3A_428 = arith.constant 7 : i32
    %shift_right_logical3A_429 = vector.broadcast %shift_right_logical3A_428 : i32 to vector<16xi32>
    %shift_right_logical3A_430 = arith.shrui %get3A_421, %shift_right_logical3A_429 : vector<16xi32>
    %shift_left3A_431 = arith.constant 10 : i32
    %shift_left3A_432 = vector.broadcast %shift_left3A_431 : i32 to vector<16xi32>
    %shift_left3A_433 = arith.shli %shift_right_logical3A_430, %shift_left3A_432 : vector<16xi32>
    %add3A_434 = arith.addi %add3A_427, %shift_left3A_433 : vector<16xi32>
    %and3A_435 = arith.constant 127 : i32
    %and3A_436 = vector.broadcast %and3A_435 : i32 to vector<16xi32>
    %and3A_437 = arith.andi %get3A_421, %and3A_436 : vector<16xi32>
    %add3A_438 = arith.addi %add3A_434, %and3A_437 : vector<16xi32>
    %swap3A_439 = arith.constant 240 : index
    %swap3A_440 = tpu.vector_load %arg6[%swap3A_439] {strides = array<i32>} : memref<512xi32, #tpu.memory_space<vmem>>, vector<16xi32>,
    %swap3A_441 = vector.shape_cast %swap3A_440 : vector<16xi32> to vector<16xi32>
    %swap3A_442 = vector.shape_cast %add3A_438 : vector<16xi32> to vector<16xi32>
    tpu.vector_store %arg6[%swap3A_439], %swap3A_442 {strides = array<i32>} : memref<512xi32, #tpu.memory_space<vmem>>, vector<16xi32>,
    %dma_start3A_443 = arith.constant 128 : i32
    %dma_start3A_444 = tpu.memref_slice %arg7[%dma_start3A_443] : memref<512xf32, #tpu.memory_space<vmem>> -> memref<128xf32, #tpu.memory_space<vmem>>
    %dma_start3A_445 = arith.constant 128 : i32
    %dma_start3A_446 = tpu.memref_slice %arg6[%dma_start3A_445] : memref<512xi32, #tpu.memory_space<vmem>> -> memref<128xi32, #tpu.memory_space<vmem>>
    %dma_start3A_447 = arith.constant 0 : i32
    %dma_start3A_448 = tpu.memref_slice %arg2[%dma_start3A_447] : memref<67108864xf32, #tpu.memory_space<hbm>> -> memref<67108864xf32, #tpu.memory_space<hbm>>
    tpu.enqueue_indirect_dma source(%dma_start3A_448 : memref<67108864xf32, #tpu.memory_space<hbm>>) target(%dma_start3A_444 : memref<128xf32, #tpu.memory_space<vmem>>) offsets(%dma_start3A_446 : memref<128xi32, #tpu.memory_space<vmem>>) semaphore(%arg10 : memref<!tpu.dma_semaphore, #tpu.memory_space<semaphore_mem>>)
    %dma_wait3A_449 = arith.constant 256 : i32
    %dma_wait3A_450 = tpu.memref_slice %arg5[%dma_wait3A_449] : memref<512xi32, #tpu.memory_space<vmem>> -> memref<128xi32, #tpu.memory_space<vmem>>
    %dma_wait3A_451 = tpu.memref_slice %arg3[%add3A_19] : memref<16384xi32, #tpu.memory_space<hbm>> -> memref<128xi32, #tpu.memory_space<hbm>>
    %dma_wait3A_452 = arith.constant 256 : i32
    %dma_wait3A_453 = tpu.memref_slice %arg5[%dma_wait3A_452] : memref<512xi32, #tpu.memory_space<vmem>> -> memref<128xi32, #tpu.memory_space<vmem>>
    %dma_wait3A_454 = tpu.memref_slice %arg3[%add3A_19] : memref<16384xi32, #tpu.memory_space<hbm>> -> memref<128xi32, #tpu.memory_space<hbm>>
    tpu.wait_dma2 semaphore(%arg15 : memref<!tpu.dma_semaphore, #tpu.memory_space<semaphore_mem>>) src(%dma_wait3A_454 : memref<128xi32, #tpu.memory_space<hbm>>) dst(%dma_wait3A_453 : memref<128xi32, #tpu.memory_space<vmem>>)
    %get3A_455 = arith.constant 256 : index
    %get3A_456 = tpu.vector_load %arg5[%get3A_455] {strides = array<i32>} : memref<512xi32, #tpu.memory_space<vmem>>, vector<16xi32>,
    %get3A_457 = vector.shape_cast %get3A_456 : vector<16xi32> to vector<16xi32>
    %add3A_458 = arith.constant 256 : i32
    %add3A_459 = arith.addi %multiple_of3A, %add3A_458 : i32
    %shift_left3A_460 = arith.constant 12 : i32
    %shift_left3A_461 = arith.shli %add3A_459, %shift_left3A_460 : i32
    %add3A_462 = vector.broadcast %shift_left3A_461 : i32 to vector<16xi32>
    %add3A_463 = arith.addi %add3A_43, %add3A_462 : vector<16xi32>
    %shift_right_logical3A_464 = arith.constant 7 : i32
    %shift_right_logical3A_465 = vector.broadcast %shift_right_logical3A_464 : i32 to vector<16xi32>
    %shift_right_logical3A_466 = arith.shrui %get3A_457, %shift_right_logical3A_465 : vector<16xi32>
    %shift_left3A_467 = arith.constant 10 : i32
    %shift_left3A_468 = vector.broadcast %shift_left3A_467 : i32 to vector<16xi32>
    %shift_left3A_469 = arith.shli %shift_right_logical3A_466, %shift_left3A_468 : vector<16xi32>
    %add3A_470 = arith.addi %add3A_463, %shift_left3A_469 : vector<16xi32>
    %and3A_471 = arith.constant 127 : i32
    %and3A_472 = vector.broadcast %and3A_471 : i32 to vector<16xi32>
    %and3A_473 = arith.andi %get3A_457, %and3A_472 : vector<16xi32>
    %add3A_474 = arith.addi %add3A_470, %and3A_473 : vector<16xi32>
    %swap3A_475 = arith.constant 256 : index
    %swap3A_476 = tpu.vector_load %arg6[%swap3A_475] {strides = array<i32>} : memref<512xi32, #tpu.memory_space<vmem>>, vector<16xi32>,
    %swap3A_477 = vector.shape_cast %swap3A_476 : vector<16xi32> to vector<16xi32>
    %swap3A_478 = vector.shape_cast %add3A_474 : vector<16xi32> to vector<16xi32>
    tpu.vector_store %arg6[%swap3A_475], %swap3A_478 {strides = array<i32>} : memref<512xi32, #tpu.memory_space<vmem>>, vector<16xi32>,
    %get3A_479 = arith.constant 272 : index
    %get3A_480 = tpu.vector_load %arg5[%get3A_479] {strides = array<i32>} : memref<512xi32, #tpu.memory_space<vmem>>, vector<16xi32>,
    %get3A_481 = vector.shape_cast %get3A_480 : vector<16xi32> to vector<16xi32>
    %add3A_482 = arith.constant 272 : i32
    %add3A_483 = arith.addi %multiple_of3A, %add3A_482 : i32
    %shift_left3A_484 = arith.constant 12 : i32
    %shift_left3A_485 = arith.shli %add3A_483, %shift_left3A_484 : i32
    %add3A_486 = vector.broadcast %shift_left3A_485 : i32 to vector<16xi32>
    %add3A_487 = arith.addi %add3A_43, %add3A_486 : vector<16xi32>
    %shift_right_logical3A_488 = arith.constant 7 : i32
    %shift_right_logical3A_489 = vector.broadcast %shift_right_logical3A_488 : i32 to vector<16xi32>
    %shift_right_logical3A_490 = arith.shrui %get3A_481, %shift_right_logical3A_489 : vector<16xi32>
    %shift_left3A_491 = arith.constant 10 : i32
    %shift_left3A_492 = vector.broadcast %shift_left3A_491 : i32 to vector<16xi32>
    %shift_left3A_493 = arith.shli %shift_right_logical3A_490, %shift_left3A_492 : vector<16xi32>
    %add3A_494 = arith.addi %add3A_487, %shift_left3A_493 : vector<16xi32>
    %and3A_495 = arith.constant 127 : i32
    %and3A_496 = vector.broadcast %and3A_495 : i32 to vector<16xi32>
    %and3A_497 = arith.andi %get3A_481, %and3A_496 : vector<16xi32>
    %add3A_498 = arith.addi %add3A_494, %and3A_497 : vector<16xi32>
    %swap3A_499 = arith.constant 272 : index
    %swap3A_500 = tpu.vector_load %arg6[%swap3A_499] {strides = array<i32>} : memref<512xi32, #tpu.memory_space<vmem>>, vector<16xi32>,
    %swap3A_501 = vector.shape_cast %swap3A_500 : vector<16xi32> to vector<16xi32>
    %swap3A_502 = vector.shape_cast %add3A_498 : vector<16xi32> to vector<16xi32>
    tpu.vector_store %arg6[%swap3A_499], %swap3A_502 {strides = array<i32>} : memref<512xi32, #tpu.memory_space<vmem>>, vector<16xi32>,
    %get3A_503 = arith.constant 288 : index
    %get3A_504 = tpu.vector_load %arg5[%get3A_503] {strides = array<i32>} : memref<512xi32, #tpu.memory_space<vmem>>, vector<16xi32>,
    %get3A_505 = vector.shape_cast %get3A_504 : vector<16xi32> to vector<16xi32>
    %add3A_506 = arith.constant 288 : i32
    %add3A_507 = arith.addi %multiple_of3A, %add3A_506 : i32
    %shift_left3A_508 = arith.constant 12 : i32
    %shift_left3A_509 = arith.shli %add3A_507, %shift_left3A_508 : i32
    %add3A_510 = vector.broadcast %shift_left3A_509 : i32 to vector<16xi32>
    %add3A_511 = arith.addi %add3A_43, %add3A_510 : vector<16xi32>
    %shift_right_logical3A_512 = arith.constant 7 : i32
    %shift_right_logical3A_513 = vector.broadcast %shift_right_logical3A_512 : i32 to vector<16xi32>
    %shift_right_logical3A_514 = arith.shrui %get3A_505, %shift_right_logical3A_513 : vector<16xi32>
    %shift_left3A_515 = arith.constant 10 : i32
    %shift_left3A_516 = vector.broadcast %shift_left3A_515 : i32 to vector<16xi32>
    %shift_left3A_517 = arith.shli %shift_right_logical3A_514, %shift_left3A_516 : vector<16xi32>
    %add3A_518 = arith.addi %add3A_511, %shift_left3A_517 : vector<16xi32>
    %and3A_519 = arith.constant 127 : i32
    %and3A_520 = vector.broadcast %and3A_519 : i32 to vector<16xi32>
    %and3A_521 = arith.andi %get3A_505, %and3A_520 : vector<16xi32>
    %add3A_522 = arith.addi %add3A_518, %and3A_521 : vector<16xi32>
    %swap3A_523 = arith.constant 288 : index
    %swap3A_524 = tpu.vector_load %arg6[%swap3A_523] {strides = array<i32>} : memref<512xi32, #tpu.memory_space<vmem>>, vector<16xi32>,
    %swap3A_525 = vector.shape_cast %swap3A_524 : vector<16xi32> to vector<16xi32>
    %swap3A_526 = vector.shape_cast %add3A_522 : vector<16xi32> to vector<16xi32>
    tpu.vector_store %arg6[%swap3A_523], %swap3A_526 {strides = array<i32>} : memref<512xi32, #tpu.memory_space<vmem>>, vector<16xi32>,
    %get3A_527 = arith.constant 304 : index
    %get3A_528 = tpu.vector_load %arg5[%get3A_527] {strides = array<i32>} : memref<512xi32, #tpu.memory_space<vmem>>, vector<16xi32>,
    %get3A_529 = vector.shape_cast %get3A_528 : vector<16xi32> to vector<16xi32>
    %add3A_530 = arith.constant 304 : i32
    %add3A_531 = arith.addi %multiple_of3A, %add3A_530 : i32
    %shift_left3A_532 = arith.constant 12 : i32
    %shift_left3A_533 = arith.shli %add3A_531, %shift_left3A_532 : i32
    %add3A_534 = vector.broadcast %shift_left3A_533 : i32 to vector<16xi32>
    %add3A_535 = arith.addi %add3A_43, %add3A_534 : vector<16xi32>
    %shift_right_logical3A_536 = arith.constant 7 : i32
    %shift_right_logical3A_537 = vector.broadcast %shift_right_logical3A_536 : i32 to vector<16xi32>
    %shift_right_logical3A_538 = arith.shrui %get3A_529, %shift_right_logical3A_537 : vector<16xi32>
    %shift_left3A_539 = arith.constant 10 : i32
    %shift_left3A_540 = vector.broadcast %shift_left3A_539 : i32 to vector<16xi32>
    %shift_left3A_541 = arith.shli %shift_right_logical3A_538, %shift_left3A_540 : vector<16xi32>
    %add3A_542 = arith.addi %add3A_535, %shift_left3A_541 : vector<16xi32>
    %and3A_543 = arith.constant 127 : i32
    %and3A_544 = vector.broadcast %and3A_543 : i32 to vector<16xi32>
    %and3A_545 = arith.andi %get3A_529, %and3A_544 : vector<16xi32>
    %add3A_546 = arith.addi %add3A_542, %and3A_545 : vector<16xi32>
    %swap3A_547 = arith.constant 304 : index
    %swap3A_548 = tpu.vector_load %arg6[%swap3A_547] {strides = array<i32>} : memref<512xi32, #tpu.memory_space<vmem>>, vector<16xi32>,
    %swap3A_549 = vector.shape_cast %swap3A_548 : vector<16xi32> to vector<16xi32>
    %swap3A_550 = vector.shape_cast %add3A_546 : vector<16xi32> to vector<16xi32>
    tpu.vector_store %arg6[%swap3A_547], %swap3A_550 {strides = array<i32>} : memref<512xi32, #tpu.memory_space<vmem>>, vector<16xi32>,
    %get3A_551 = arith.constant 320 : index
    %get3A_552 = tpu.vector_load %arg5[%get3A_551] {strides = array<i32>} : memref<512xi32, #tpu.memory_space<vmem>>, vector<16xi32>,
    %get3A_553 = vector.shape_cast %get3A_552 : vector<16xi32> to vector<16xi32>
    %add3A_554 = arith.constant 320 : i32
    %add3A_555 = arith.addi %multiple_of3A, %add3A_554 : i32
    %shift_left3A_556 = arith.constant 12 : i32
    %shift_left3A_557 = arith.shli %add3A_555, %shift_left3A_556 : i32
    %add3A_558 = vector.broadcast %shift_left3A_557 : i32 to vector<16xi32>
    %add3A_559 = arith.addi %add3A_43, %add3A_558 : vector<16xi32>
    %shift_right_logical3A_560 = arith.constant 7 : i32
    %shift_right_logical3A_561 = vector.broadcast %shift_right_logical3A_560 : i32 to vector<16xi32>
    %shift_right_logical3A_562 = arith.shrui %get3A_553, %shift_right_logical3A_561 : vector<16xi32>
    %shift_left3A_563 = arith.constant 10 : i32
    %shift_left3A_564 = vector.broadcast %shift_left3A_563 : i32 to vector<16xi32>
    %shift_left3A_565 = arith.shli %shift_right_logical3A_562, %shift_left3A_564 : vector<16xi32>
    %add3A_566 = arith.addi %add3A_559, %shift_left3A_565 : vector<16xi32>
    %and3A_567 = arith.constant 127 : i32
    %and3A_568 = vector.broadcast %and3A_567 : i32 to vector<16xi32>
    %and3A_569 = arith.andi %get3A_553, %and3A_568 : vector<16xi32>
    %add3A_570 = arith.addi %add3A_566, %and3A_569 : vector<16xi32>
    %swap3A_571 = arith.constant 320 : index
    %swap3A_572 = tpu.vector_load %arg6[%swap3A_571] {strides = array<i32>} : memref<512xi32, #tpu.memory_space<vmem>>, vector<16xi32>,
    %swap3A_573 = vector.shape_cast %swap3A_572 : vector<16xi32> to vector<16xi32>
    %swap3A_574 = vector.shape_cast %add3A_570 : vector<16xi32> to vector<16xi32>
    tpu.vector_store %arg6[%swap3A_571], %swap3A_574 {strides = array<i32>} : memref<512xi32, #tpu.memory_space<vmem>>, vector<16xi32>,
    %get3A_575 = arith.constant 336 : index
    %get3A_576 = tpu.vector_load %arg5[%get3A_575] {strides = array<i32>} : memref<512xi32, #tpu.memory_space<vmem>>, vector<16xi32>,
    %get3A_577 = vector.shape_cast %get3A_576 : vector<16xi32> to vector<16xi32>
    %add3A_578 = arith.constant 336 : i32
    %add3A_579 = arith.addi %multiple_of3A, %add3A_578 : i32
    %shift_left3A_580 = arith.constant 12 : i32
    %shift_left3A_581 = arith.shli %add3A_579, %shift_left3A_580 : i32
    %add3A_582 = vector.broadcast %shift_left3A_581 : i32 to vector<16xi32>
    %add3A_583 = arith.addi %add3A_43, %add3A_582 : vector<16xi32>
    %shift_right_logical3A_584 = arith.constant 7 : i32
    %shift_right_logical3A_585 = vector.broadcast %shift_right_logical3A_584 : i32 to vector<16xi32>
    %shift_right_logical3A_586 = arith.shrui %get3A_577, %shift_right_logical3A_585 : vector<16xi32>
    %shift_left3A_587 = arith.constant 10 : i32
    %shift_left3A_588 = vector.broadcast %shift_left3A_587 : i32 to vector<16xi32>
    %shift_left3A_589 = arith.shli %shift_right_logical3A_586, %shift_left3A_588 : vector<16xi32>
    %add3A_590 = arith.addi %add3A_583, %shift_left3A_589 : vector<16xi32>
    %and3A_591 = arith.constant 127 : i32
    %and3A_592 = vector.broadcast %and3A_591 : i32 to vector<16xi32>
    %and3A_593 = arith.andi %get3A_577, %and3A_592 : vector<16xi32>
    %add3A_594 = arith.addi %add3A_590, %and3A_593 : vector<16xi32>
    %swap3A_595 = arith.constant 336 : index
    %swap3A_596 = tpu.vector_load %arg6[%swap3A_595] {strides = array<i32>} : memref<512xi32, #tpu.memory_space<vmem>>, vector<16xi32>,
    %swap3A_597 = vector.shape_cast %swap3A_596 : vector<16xi32> to vector<16xi32>
    %swap3A_598 = vector.shape_cast %add3A_594 : vector<16xi32> to vector<16xi32>
    tpu.vector_store %arg6[%swap3A_595], %swap3A_598 {strides = array<i32>} : memref<512xi32, #tpu.memory_space<vmem>>, vector<16xi32>,
    %get3A_599 = arith.constant 352 : index
    %get3A_600 = tpu.vector_load %arg5[%get3A_599] {strides = array<i32>} : memref<512xi32, #tpu.memory_space<vmem>>, vector<16xi32>,
    %get3A_601 = vector.shape_cast %get3A_600 : vector<16xi32> to vector<16xi32>
    %add3A_602 = arith.constant 352 : i32
    %add3A_603 = arith.addi %multiple_of3A, %add3A_602 : i32
    %shift_left3A_604 = arith.constant 12 : i32
    %shift_left3A_605 = arith.shli %add3A_603, %shift_left3A_604 : i32
    %add3A_606 = vector.broadcast %shift_left3A_605 : i32 to vector<16xi32>
    %add3A_607 = arith.addi %add3A_43, %add3A_606 : vector<16xi32>
    %shift_right_logical3A_608 = arith.constant 7 : i32
    %shift_right_logical3A_609 = vector.broadcast %shift_right_logical3A_608 : i32 to vector<16xi32>
    %shift_right_logical3A_610 = arith.shrui %get3A_601, %shift_right_logical3A_609 : vector<16xi32>
    %shift_left3A_611 = arith.constant 10 : i32
    %shift_left3A_612 = vector.broadcast %shift_left3A_611 : i32 to vector<16xi32>
    %shift_left3A_613 = arith.shli %shift_right_logical3A_610, %shift_left3A_612 : vector<16xi32>
    %add3A_614 = arith.addi %add3A_607, %shift_left3A_613 : vector<16xi32>
    %and3A_615 = arith.constant 127 : i32
    %and3A_616 = vector.broadcast %and3A_615 : i32 to vector<16xi32>
    %and3A_617 = arith.andi %get3A_601, %and3A_616 : vector<16xi32>
    %add3A_618 = arith.addi %add3A_614, %and3A_617 : vector<16xi32>
    %swap3A_619 = arith.constant 352 : index
    %swap3A_620 = tpu.vector_load %arg6[%swap3A_619] {strides = array<i32>} : memref<512xi32, #tpu.memory_space<vmem>>, vector<16xi32>,
    %swap3A_621 = vector.shape_cast %swap3A_620 : vector<16xi32> to vector<16xi32>
    %swap3A_622 = vector.shape_cast %add3A_618 : vector<16xi32> to vector<16xi32>
    tpu.vector_store %arg6[%swap3A_619], %swap3A_622 {strides = array<i32>} : memref<512xi32, #tpu.memory_space<vmem>>, vector<16xi32>,
    %get3A_623 = arith.constant 368 : index
    %get3A_624 = tpu.vector_load %arg5[%get3A_623] {strides = array<i32>} : memref<512xi32, #tpu.memory_space<vmem>>, vector<16xi32>,
    %get3A_625 = vector.shape_cast %get3A_624 : vector<16xi32> to vector<16xi32>
    %add3A_626 = arith.constant 368 : i32
    %add3A_627 = arith.addi %multiple_of3A, %add3A_626 : i32
    %shift_left3A_628 = arith.constant 12 : i32
    %shift_left3A_629 = arith.shli %add3A_627, %shift_left3A_628 : i32
    %add3A_630 = vector.broadcast %shift_left3A_629 : i32 to vector<16xi32>
    %add3A_631 = arith.addi %add3A_43, %add3A_630 : vector<16xi32>
    %shift_right_logical3A_632 = arith.constant 7 : i32
    %shift_right_logical3A_633 = vector.broadcast %shift_right_logical3A_632 : i32 to vector<16xi32>
    %shift_right_logical3A_634 = arith.shrui %get3A_625, %shift_right_logical3A_633 : vector<16xi32>
    %shift_left3A_635 = arith.constant 10 : i32
    %shift_left3A_636 = vector.broadcast %shift_left3A_635 : i32 to vector<16xi32>
    %shift_left3A_637 = arith.shli %shift_right_logical3A_634, %shift_left3A_636 : vector<16xi32>
    %add3A_638 = arith.addi %add3A_631, %shift_left3A_637 : vector<16xi32>
    %and3A_639 = arith.constant 127 : i32
    %and3A_640 = vector.broadcast %and3A_639 : i32 to vector<16xi32>
    %and3A_641 = arith.andi %get3A_625, %and3A_640 : vector<16xi32>
    %add3A_642 = arith.addi %add3A_638, %and3A_641 : vector<16xi32>
    %swap3A_643 = arith.constant 368 : index
    %swap3A_644 = tpu.vector_load %arg6[%swap3A_643] {strides = array<i32>} : memref<512xi32, #tpu.memory_space<vmem>>, vector<16xi32>,
    %swap3A_645 = vector.shape_cast %swap3A_644 : vector<16xi32> to vector<16xi32>
    %swap3A_646 = vector.shape_cast %add3A_642 : vector<16xi32> to vector<16xi32>
    tpu.vector_store %arg6[%swap3A_643], %swap3A_646 {strides = array<i32>} : memref<512xi32, #tpu.memory_space<vmem>>, vector<16xi32>,
    %dma_start3A_647 = arith.constant 256 : i32
    %dma_start3A_648 = tpu.memref_slice %arg7[%dma_start3A_647] : memref<512xf32, #tpu.memory_space<vmem>> -> memref<128xf32, #tpu.memory_space<vmem>>
    %dma_start3A_649 = arith.constant 256 : i32
    %dma_start3A_650 = tpu.memref_slice %arg6[%dma_start3A_649] : memref<512xi32, #tpu.memory_space<vmem>> -> memref<128xi32, #tpu.memory_space<vmem>>
    %dma_start3A_651 = arith.constant 0 : i32
    %dma_start3A_652 = tpu.memref_slice %arg2[%dma_start3A_651] : memref<67108864xf32, #tpu.memory_space<hbm>> -> memref<67108864xf32, #tpu.memory_space<hbm>>
    tpu.enqueue_indirect_dma source(%dma_start3A_652 : memref<67108864xf32, #tpu.memory_space<hbm>>) target(%dma_start3A_648 : memref<128xf32, #tpu.memory_space<vmem>>) offsets(%dma_start3A_650 : memref<128xi32, #tpu.memory_space<vmem>>) semaphore(%arg11 : memref<!tpu.dma_semaphore, #tpu.memory_space<semaphore_mem>>)
    %dma_wait3A_653 = arith.constant 384 : i32
    %dma_wait3A_654 = tpu.memref_slice %arg5[%dma_wait3A_653] : memref<512xi32, #tpu.memory_space<vmem>> -> memref<128xi32, #tpu.memory_space<vmem>>
    %dma_wait3A_655 = tpu.memref_slice %arg3[%add3A_27] : memref<16384xi32, #tpu.memory_space<hbm>> -> memref<128xi32, #tpu.memory_space<hbm>>
    %dma_wait3A_656 = arith.constant 384 : i32
    %dma_wait3A_657 = tpu.memref_slice %arg5[%dma_wait3A_656] : memref<512xi32, #tpu.memory_space<vmem>> -> memref<128xi32, #tpu.memory_space<vmem>>
    %dma_wait3A_658 = tpu.memref_slice %arg3[%add3A_27] : memref<16384xi32, #tpu.memory_space<hbm>> -> memref<128xi32, #tpu.memory_space<hbm>>
    tpu.wait_dma2 semaphore(%arg16 : memref<!tpu.dma_semaphore, #tpu.memory_space<semaphore_mem>>) src(%dma_wait3A_658 : memref<128xi32, #tpu.memory_space<hbm>>) dst(%dma_wait3A_657 : memref<128xi32, #tpu.memory_space<vmem>>)
    %get3A_659 = arith.constant 384 : index
    %get3A_660 = tpu.vector_load %arg5[%get3A_659] {strides = array<i32>} : memref<512xi32, #tpu.memory_space<vmem>>, vector<16xi32>,
    %get3A_661 = vector.shape_cast %get3A_660 : vector<16xi32> to vector<16xi32>
    %add3A_662 = arith.constant 384 : i32
    %add3A_663 = arith.addi %multiple_of3A, %add3A_662 : i32
    %shift_left3A_664 = arith.constant 12 : i32
    %shift_left3A_665 = arith.shli %add3A_663, %shift_left3A_664 : i32
    %add3A_666 = vector.broadcast %shift_left3A_665 : i32 to vector<16xi32>
    %add3A_667 = arith.addi %add3A_43, %add3A_666 : vector<16xi32>
    %shift_right_logical3A_668 = arith.constant 7 : i32
    %shift_right_logical3A_669 = vector.broadcast %shift_right_logical3A_668 : i32 to vector<16xi32>
    %shift_right_logical3A_670 = arith.shrui %get3A_661, %shift_right_logical3A_669 : vector<16xi32>
    %shift_left3A_671 = arith.constant 10 : i32
    %shift_left3A_672 = vector.broadcast %shift_left3A_671 : i32 to vector<16xi32>
    %shift_left3A_673 = arith.shli %shift_right_logical3A_670, %shift_left3A_672 : vector<16xi32>
    %add3A_674 = arith.addi %add3A_667, %shift_left3A_673 : vector<16xi32>
    %and3A_675 = arith.constant 127 : i32
    %and3A_676 = vector.broadcast %and3A_675 : i32 to vector<16xi32>
    %and3A_677 = arith.andi %get3A_661, %and3A_676 : vector<16xi32>
    %add3A_678 = arith.addi %add3A_674, %and3A_677 : vector<16xi32>
    %swap3A_679 = arith.constant 384 : index
    %swap3A_680 = tpu.vector_load %arg6[%swap3A_679] {strides = array<i32>} : memref<512xi32, #tpu.memory_space<vmem>>, vector<16xi32>,
    %swap3A_681 = vector.shape_cast %swap3A_680 : vector<16xi32> to vector<16xi32>
    %swap3A_682 = vector.shape_cast %add3A_678 : vector<16xi32> to vector<16xi32>
    tpu.vector_store %arg6[%swap3A_679], %swap3A_682 {strides = array<i32>} : memref<512xi32, #tpu.memory_space<vmem>>, vector<16xi32>,
    %get3A_683 = arith.constant 400 : index
    %get3A_684 = tpu.vector_load %arg5[%get3A_683] {strides = array<i32>} : memref<512xi32, #tpu.memory_space<vmem>>, vector<16xi32>,
    %get3A_685 = vector.shape_cast %get3A_684 : vector<16xi32> to vector<16xi32>
    %add3A_686 = arith.constant 400 : i32
    %add3A_687 = arith.addi %multiple_of3A, %add3A_686 : i32
    %shift_left3A_688 = arith.constant 12 : i32
    %shift_left3A_689 = arith.shli %add3A_687, %shift_left3A_688 : i32
    %add3A_690 = vector.broadcast %shift_left3A_689 : i32 to vector<16xi32>
    %add3A_691 = arith.addi %add3A_43, %add3A_690 : vector<16xi32>
    %shift_right_logical3A_692 = arith.constant 7 : i32
    %shift_right_logical3A_693 = vector.broadcast %shift_right_logical3A_692 : i32 to vector<16xi32>
    %shift_right_logical3A_694 = arith.shrui %get3A_685, %shift_right_logical3A_693 : vector<16xi32>
    %shift_left3A_695 = arith.constant 10 : i32
    %shift_left3A_696 = vector.broadcast %shift_left3A_695 : i32 to vector<16xi32>
    %shift_left3A_697 = arith.shli %shift_right_logical3A_694, %shift_left3A_696 : vector<16xi32>
    %add3A_698 = arith.addi %add3A_691, %shift_left3A_697 : vector<16xi32>
    %and3A_699 = arith.constant 127 : i32
    %and3A_700 = vector.broadcast %and3A_699 : i32 to vector<16xi32>
    %and3A_701 = arith.andi %get3A_685, %and3A_700 : vector<16xi32>
    %add3A_702 = arith.addi %add3A_698, %and3A_701 : vector<16xi32>
    %swap3A_703 = arith.constant 400 : index
    %swap3A_704 = tpu.vector_load %arg6[%swap3A_703] {strides = array<i32>} : memref<512xi32, #tpu.memory_space<vmem>>, vector<16xi32>,
    %swap3A_705 = vector.shape_cast %swap3A_704 : vector<16xi32> to vector<16xi32>
    %swap3A_706 = vector.shape_cast %add3A_702 : vector<16xi32> to vector<16xi32>
    tpu.vector_store %arg6[%swap3A_703], %swap3A_706 {strides = array<i32>} : memref<512xi32, #tpu.memory_space<vmem>>, vector<16xi32>,
    %get3A_707 = arith.constant 416 : index
    %get3A_708 = tpu.vector_load %arg5[%get3A_707] {strides = array<i32>} : memref<512xi32, #tpu.memory_space<vmem>>, vector<16xi32>,
    %get3A_709 = vector.shape_cast %get3A_708 : vector<16xi32> to vector<16xi32>
    %add3A_710 = arith.constant 416 : i32
    %add3A_711 = arith.addi %multiple_of3A, %add3A_710 : i32
    %shift_left3A_712 = arith.constant 12 : i32
    %shift_left3A_713 = arith.shli %add3A_711, %shift_left3A_712 : i32
    %add3A_714 = vector.broadcast %shift_left3A_713 : i32 to vector<16xi32>
    %add3A_715 = arith.addi %add3A_43, %add3A_714 : vector<16xi32>
    %shift_right_logical3A_716 = arith.constant 7 : i32
    %shift_right_logical3A_717 = vector.broadcast %shift_right_logical3A_716 : i32 to vector<16xi32>
    %shift_right_logical3A_718 = arith.shrui %get3A_709, %shift_right_logical3A_717 : vector<16xi32>
    %shift_left3A_719 = arith.constant 10 : i32
    %shift_left3A_720 = vector.broadcast %shift_left3A_719 : i32 to vector<16xi32>
    %shift_left3A_721 = arith.shli %shift_right_logical3A_718, %shift_left3A_720 : vector<16xi32>
    %add3A_722 = arith.addi %add3A_715, %shift_left3A_721 : vector<16xi32>
    %and3A_723 = arith.constant 127 : i32
    %and3A_724 = vector.broadcast %and3A_723 : i32 to vector<16xi32>
    %and3A_725 = arith.andi %get3A_709, %and3A_724 : vector<16xi32>
    %add3A_726 = arith.addi %add3A_722, %and3A_725 : vector<16xi32>
    %swap3A_727 = arith.constant 416 : index
    %swap3A_728 = tpu.vector_load %arg6[%swap3A_727] {strides = array<i32>} : memref<512xi32, #tpu.memory_space<vmem>>, vector<16xi32>,
    %swap3A_729 = vector.shape_cast %swap3A_728 : vector<16xi32> to vector<16xi32>
    %swap3A_730 = vector.shape_cast %add3A_726 : vector<16xi32> to vector<16xi32>
    tpu.vector_store %arg6[%swap3A_727], %swap3A_730 {strides = array<i32>} : memref<512xi32, #tpu.memory_space<vmem>>, vector<16xi32>,
    %get3A_731 = arith.constant 432 : index
    %get3A_732 = tpu.vector_load %arg5[%get3A_731] {strides = array<i32>} : memref<512xi32, #tpu.memory_space<vmem>>, vector<16xi32>,
    %get3A_733 = vector.shape_cast %get3A_732 : vector<16xi32> to vector<16xi32>
    %add3A_734 = arith.constant 432 : i32
    %add3A_735 = arith.addi %multiple_of3A, %add3A_734 : i32
    %shift_left3A_736 = arith.constant 12 : i32
    %shift_left3A_737 = arith.shli %add3A_735, %shift_left3A_736 : i32
    %add3A_738 = vector.broadcast %shift_left3A_737 : i32 to vector<16xi32>
    %add3A_739 = arith.addi %add3A_43, %add3A_738 : vector<16xi32>
    %shift_right_logical3A_740 = arith.constant 7 : i32
    %shift_right_logical3A_741 = vector.broadcast %shift_right_logical3A_740 : i32 to vector<16xi32>
    %shift_right_logical3A_742 = arith.shrui %get3A_733, %shift_right_logical3A_741 : vector<16xi32>
    %shift_left3A_743 = arith.constant 10 : i32
    %shift_left3A_744 = vector.broadcast %shift_left3A_743 : i32 to vector<16xi32>
    %shift_left3A_745 = arith.shli %shift_right_logical3A_742, %shift_left3A_744 : vector<16xi32>
    %add3A_746 = arith.addi %add3A_739, %shift_left3A_745 : vector<16xi32>
    %and3A_747 = arith.constant 127 : i32
    %and3A_748 = vector.broadcast %and3A_747 : i32 to vector<16xi32>
    %and3A_749 = arith.andi %get3A_733, %and3A_748 : vector<16xi32>
    %add3A_750 = arith.addi %add3A_746, %and3A_749 : vector<16xi32>
    %swap3A_751 = arith.constant 432 : index
    %swap3A_752 = tpu.vector_load %arg6[%swap3A_751] {strides = array<i32>} : memref<512xi32, #tpu.memory_space<vmem>>, vector<16xi32>,
    %swap3A_753 = vector.shape_cast %swap3A_752 : vector<16xi32> to vector<16xi32>
    %swap3A_754 = vector.shape_cast %add3A_750 : vector<16xi32> to vector<16xi32>
    tpu.vector_store %arg6[%swap3A_751], %swap3A_754 {strides = array<i32>} : memref<512xi32, #tpu.memory_space<vmem>>, vector<16xi32>,
    %get3A_755 = arith.constant 448 : index
    %get3A_756 = tpu.vector_load %arg5[%get3A_755] {strides = array<i32>} : memref<512xi32, #tpu.memory_space<vmem>>, vector<16xi32>,
    %get3A_757 = vector.shape_cast %get3A_756 : vector<16xi32> to vector<16xi32>
    %add3A_758 = arith.constant 448 : i32
    %add3A_759 = arith.addi %multiple_of3A, %add3A_758 : i32
    %shift_left3A_760 = arith.constant 12 : i32
    %shift_left3A_761 = arith.shli %add3A_759, %shift_left3A_760 : i32
    %add3A_762 = vector.broadcast %shift_left3A_761 : i32 to vector<16xi32>
    %add3A_763 = arith.addi %add3A_43, %add3A_762 : vector<16xi32>
    %shift_right_logical3A_764 = arith.constant 7 : i32
    %shift_right_logical3A_765 = vector.broadcast %shift_right_logical3A_764 : i32 to vector<16xi32>
    %shift_right_logical3A_766 = arith.shrui %get3A_757, %shift_right_logical3A_765 : vector<16xi32>
    %shift_left3A_767 = arith.constant 10 : i32
    %shift_left3A_768 = vector.broadcast %shift_left3A_767 : i32 to vector<16xi32>
    %shift_left3A_769 = arith.shli %shift_right_logical3A_766, %shift_left3A_768 : vector<16xi32>
    %add3A_770 = arith.addi %add3A_763, %shift_left3A_769 : vector<16xi32>
    %and3A_771 = arith.constant 127 : i32
    %and3A_772 = vector.broadcast %and3A_771 : i32 to vector<16xi32>
    %and3A_773 = arith.andi %get3A_757, %and3A_772 : vector<16xi32>
    %add3A_774 = arith.addi %add3A_770, %and3A_773 : vector<16xi32>
    %swap3A_775 = arith.constant 448 : index
    %swap3A_776 = tpu.vector_load %arg6[%swap3A_775] {strides = array<i32>} : memref<512xi32, #tpu.memory_space<vmem>>, vector<16xi32>,
    %swap3A_777 = vector.shape_cast %swap3A_776 : vector<16xi32> to vector<16xi32>
    %swap3A_778 = vector.shape_cast %add3A_774 : vector<16xi32> to vector<16xi32>
    tpu.vector_store %arg6[%swap3A_775], %swap3A_778 {strides = array<i32>} : memref<512xi32, #tpu.memory_space<vmem>>, vector<16xi32>,
    %get3A_779 = arith.constant 464 : index
    %get3A_780 = tpu.vector_load %arg5[%get3A_779] {strides = array<i32>} : memref<512xi32, #tpu.memory_space<vmem>>, vector<16xi32>,
    %get3A_781 = vector.shape_cast %get3A_780 : vector<16xi32> to vector<16xi32>
    %add3A_782 = arith.constant 464 : i32
    %add3A_783 = arith.addi %multiple_of3A, %add3A_782 : i32
    %shift_left3A_784 = arith.constant 12 : i32
    %shift_left3A_785 = arith.shli %add3A_783, %shift_left3A_784 : i32
    %add3A_786 = vector.broadcast %shift_left3A_785 : i32 to vector<16xi32>
    %add3A_787 = arith.addi %add3A_43, %add3A_786 : vector<16xi32>
    %shift_right_logical3A_788 = arith.constant 7 : i32
    %shift_right_logical3A_789 = vector.broadcast %shift_right_logical3A_788 : i32 to vector<16xi32>
    %shift_right_logical3A_790 = arith.shrui %get3A_781, %shift_right_logical3A_789 : vector<16xi32>
    %shift_left3A_791 = arith.constant 10 : i32
    %shift_left3A_792 = vector.broadcast %shift_left3A_791 : i32 to vector<16xi32>
    %shift_left3A_793 = arith.shli %shift_right_logical3A_790, %shift_left3A_792 : vector<16xi32>
    %add3A_794 = arith.addi %add3A_787, %shift_left3A_793 : vector<16xi32>
    %and3A_795 = arith.constant 127 : i32
    %and3A_796 = vector.broadcast %and3A_795 : i32 to vector<16xi32>
    %and3A_797 = arith.andi %get3A_781, %and3A_796 : vector<16xi32>
    %add3A_798 = arith.addi %add3A_794, %and3A_797 : vector<16xi32>
    %swap3A_799 = arith.constant 464 : index
    %swap3A_800 = tpu.vector_load %arg6[%swap3A_799] {strides = array<i32>} : memref<512xi32, #tpu.memory_space<vmem>>, vector<16xi32>,
    %swap3A_801 = vector.shape_cast %swap3A_800 : vector<16xi32> to vector<16xi32>
    %swap3A_802 = vector.shape_cast %add3A_798 : vector<16xi32> to vector<16xi32>
    tpu.vector_store %arg6[%swap3A_799], %swap3A_802 {strides = array<i32>} : memref<512xi32, #tpu.memory_space<vmem>>, vector<16xi32>,
    %get3A_803 = arith.constant 480 : index
    %get3A_804 = tpu.vector_load %arg5[%get3A_803] {strides = array<i32>} : memref<512xi32, #tpu.memory_space<vmem>>, vector<16xi32>,
    %get3A_805 = vector.shape_cast %get3A_804 : vector<16xi32> to vector<16xi32>
    %add3A_806 = arith.constant 480 : i32
    %add3A_807 = arith.addi %multiple_of3A, %add3A_806 : i32
    %shift_left3A_808 = arith.constant 12 : i32
    %shift_left3A_809 = arith.shli %add3A_807, %shift_left3A_808 : i32
    %add3A_810 = vector.broadcast %shift_left3A_809 : i32 to vector<16xi32>
    %add3A_811 = arith.addi %add3A_43, %add3A_810 : vector<16xi32>
    %shift_right_logical3A_812 = arith.constant 7 : i32
    %shift_right_logical3A_813 = vector.broadcast %shift_right_logical3A_812 : i32 to vector<16xi32>
    %shift_right_logical3A_814 = arith.shrui %get3A_805, %shift_right_logical3A_813 : vector<16xi32>
    %shift_left3A_815 = arith.constant 10 : i32
    %shift_left3A_816 = vector.broadcast %shift_left3A_815 : i32 to vector<16xi32>
    %shift_left3A_817 = arith.shli %shift_right_logical3A_814, %shift_left3A_816 : vector<16xi32>
    %add3A_818 = arith.addi %add3A_811, %shift_left3A_817 : vector<16xi32>
    %and3A_819 = arith.constant 127 : i32
    %and3A_820 = vector.broadcast %and3A_819 : i32 to vector<16xi32>
    %and3A_821 = arith.andi %get3A_805, %and3A_820 : vector<16xi32>
    %add3A_822 = arith.addi %add3A_818, %and3A_821 : vector<16xi32>
    %swap3A_823 = arith.constant 480 : index
    %swap3A_824 = tpu.vector_load %arg6[%swap3A_823] {strides = array<i32>} : memref<512xi32, #tpu.memory_space<vmem>>, vector<16xi32>,
    %swap3A_825 = vector.shape_cast %swap3A_824 : vector<16xi32> to vector<16xi32>
    %swap3A_826 = vector.shape_cast %add3A_822 : vector<16xi32> to vector<16xi32>
    tpu.vector_store %arg6[%swap3A_823], %swap3A_826 {strides = array<i32>} : memref<512xi32, #tpu.memory_space<vmem>>, vector<16xi32>,
    %get3A_827 = arith.constant 496 : index
    %get3A_828 = tpu.vector_load %arg5[%get3A_827] {strides = array<i32>} : memref<512xi32, #tpu.memory_space<vmem>>, vector<16xi32>,
    %get3A_829 = vector.shape_cast %get3A_828 : vector<16xi32> to vector<16xi32>
    %add3A_830 = arith.constant 496 : i32
    %add3A_831 = arith.addi %multiple_of3A, %add3A_830 : i32
    %shift_left3A_832 = arith.constant 12 : i32
    %shift_left3A_833 = arith.shli %add3A_831, %shift_left3A_832 : i32
    %add3A_834 = vector.broadcast %shift_left3A_833 : i32 to vector<16xi32>
    %add3A_835 = arith.addi %add3A_43, %add3A_834 : vector<16xi32>
    %shift_right_logical3A_836 = arith.constant 7 : i32
    %shift_right_logical3A_837 = vector.broadcast %shift_right_logical3A_836 : i32 to vector<16xi32>
    %shift_right_logical3A_838 = arith.shrui %get3A_829, %shift_right_logical3A_837 : vector<16xi32>
    %shift_left3A_839 = arith.constant 10 : i32
    %shift_left3A_840 = vector.broadcast %shift_left3A_839 : i32 to vector<16xi32>
    %shift_left3A_841 = arith.shli %shift_right_logical3A_838, %shift_left3A_840 : vector<16xi32>
    %add3A_842 = arith.addi %add3A_835, %shift_left3A_841 : vector<16xi32>
    %and3A_843 = arith.constant 127 : i32
    %and3A_844 = vector.broadcast %and3A_843 : i32 to vector<16xi32>
    %and3A_845 = arith.andi %get3A_829, %and3A_844 : vector<16xi32>
    %add3A_846 = arith.addi %add3A_842, %and3A_845 : vector<16xi32>
    %swap3A_847 = arith.constant 496 : index
    %swap3A_848 = tpu.vector_load %arg6[%swap3A_847] {strides = array<i32>} : memref<512xi32, #tpu.memory_space<vmem>>, vector<16xi32>,
    %swap3A_849 = vector.shape_cast %swap3A_848 : vector<16xi32> to vector<16xi32>
    %swap3A_850 = vector.shape_cast %add3A_846 : vector<16xi32> to vector<16xi32>
    tpu.vector_store %arg6[%swap3A_847], %swap3A_850 {strides = array<i32>} : memref<512xi32, #tpu.memory_space<vmem>>, vector<16xi32>,
    %dma_start3A_851 = arith.constant 384 : i32
    %dma_start3A_852 = tpu.memref_slice %arg7[%dma_start3A_851] : memref<512xf32, #tpu.memory_space<vmem>> -> memref<128xf32, #tpu.memory_space<vmem>>
    %dma_start3A_853 = arith.constant 384 : i32
    %dma_start3A_854 = tpu.memref_slice %arg6[%dma_start3A_853] : memref<512xi32, #tpu.memory_space<vmem>> -> memref<128xi32, #tpu.memory_space<vmem>>
    %dma_start3A_855 = arith.constant 0 : i32
    %dma_start3A_856 = tpu.memref_slice %arg2[%dma_start3A_855] : memref<67108864xf32, #tpu.memory_space<hbm>> -> memref<67108864xf32, #tpu.memory_space<hbm>>
    tpu.enqueue_indirect_dma source(%dma_start3A_856 : memref<67108864xf32, #tpu.memory_space<hbm>>) target(%dma_start3A_852 : memref<128xf32, #tpu.memory_space<vmem>>) offsets(%dma_start3A_854 : memref<128xi32, #tpu.memory_space<vmem>>) semaphore(%arg12 : memref<!tpu.dma_semaphore, #tpu.memory_space<semaphore_mem>>)
    %broadcast_in_dim3A = arith.constant 0.000000e+00 : f32
    %broadcast_in_dim3A_857 = vector.broadcast %broadcast_in_dim3A : f32 to vector<16xf32>
    %dma_wait3A_858 = arith.constant 0 : i32
    %dma_wait3A_859 = tpu.memref_slice %arg7[%dma_wait3A_858] : memref<512xf32, #tpu.memory_space<vmem>> -> memref<128xf32, #tpu.memory_space<vmem>>
    %dma_wait3A_860 = arith.constant 0 : i32
    %dma_wait3A_861 = tpu.memref_slice %arg6[%dma_wait3A_860] : memref<512xi32, #tpu.memory_space<vmem>> -> memref<128xi32, #tpu.memory_space<vmem>>
    %dma_wait3A_862 = arith.constant 0 : i32
    %dma_wait3A_863 = tpu.memref_slice %arg2[%dma_wait3A_862] : memref<67108864xf32, #tpu.memory_space<hbm>> -> memref<67108864xf32, #tpu.memory_space<hbm>>
    tpu.wait_indirect_dma semaphore(%arg9 : memref<!tpu.dma_semaphore, #tpu.memory_space<semaphore_mem>>) src(%dma_wait3A_863 : memref<67108864xf32, #tpu.memory_space<hbm>>) dst(%dma_wait3A_859 : memref<128xf32, #tpu.memory_space<vmem>>)
    %get3A_864 = arith.constant 0 : index
    %get3A_865 = tpu.vector_load %arg7[%get3A_864] {strides = array<i32>} : memref<512xf32, #tpu.memory_space<vmem>>, vector<16xf32>,
    %get3A_866 = vector.shape_cast %get3A_865 : vector<16xf32> to vector<16xf32>
    %add3A_867 = arith.addf %broadcast_in_dim3A_857, %get3A_866 : vector<16xf32>
    %get3A_868 = arith.constant 16 : index
    %get3A_869 = tpu.vector_load %arg7[%get3A_868] {strides = array<i32>} : memref<512xf32, #tpu.memory_space<vmem>>, vector<16xf32>,
    %get3A_870 = vector.shape_cast %get3A_869 : vector<16xf32> to vector<16xf32>
    %add3A_871 = arith.addf %add3A_867, %get3A_870 : vector<16xf32>
    %get3A_872 = arith.constant 32 : index
    %get3A_873 = tpu.vector_load %arg7[%get3A_872] {strides = array<i32>} : memref<512xf32, #tpu.memory_space<vmem>>, vector<16xf32>,
    %get3A_874 = vector.shape_cast %get3A_873 : vector<16xf32> to vector<16xf32>
    %add3A_875 = arith.addf %add3A_871, %get3A_874 : vector<16xf32>
    %get3A_876 = arith.constant 48 : index
    %get3A_877 = tpu.vector_load %arg7[%get3A_876] {strides = array<i32>} : memref<512xf32, #tpu.memory_space<vmem>>, vector<16xf32>,
    %get3A_878 = vector.shape_cast %get3A_877 : vector<16xf32> to vector<16xf32>
    %add3A_879 = arith.addf %add3A_875, %get3A_878 : vector<16xf32>
    %get3A_880 = arith.constant 64 : index
    %get3A_881 = tpu.vector_load %arg7[%get3A_880] {strides = array<i32>} : memref<512xf32, #tpu.memory_space<vmem>>, vector<16xf32>,
    %get3A_882 = vector.shape_cast %get3A_881 : vector<16xf32> to vector<16xf32>
    %add3A_883 = arith.addf %add3A_879, %get3A_882 : vector<16xf32>
    %get3A_884 = arith.constant 80 : index
    %get3A_885 = tpu.vector_load %arg7[%get3A_884] {strides = array<i32>} : memref<512xf32, #tpu.memory_space<vmem>>, vector<16xf32>,
    %get3A_886 = vector.shape_cast %get3A_885 : vector<16xf32> to vector<16xf32>
    %add3A_887 = arith.addf %add3A_883, %get3A_886 : vector<16xf32>
    %get3A_888 = arith.constant 96 : index
    %get3A_889 = tpu.vector_load %arg7[%get3A_888] {strides = array<i32>} : memref<512xf32, #tpu.memory_space<vmem>>, vector<16xf32>,
    %get3A_890 = vector.shape_cast %get3A_889 : vector<16xf32> to vector<16xf32>
    %add3A_891 = arith.addf %add3A_887, %get3A_890 : vector<16xf32>
    %get3A_892 = arith.constant 112 : index
    %get3A_893 = tpu.vector_load %arg7[%get3A_892] {strides = array<i32>} : memref<512xf32, #tpu.memory_space<vmem>>, vector<16xf32>,
    %get3A_894 = vector.shape_cast %get3A_893 : vector<16xf32> to vector<16xf32>
    %add3A_895 = arith.addf %add3A_891, %get3A_894 : vector<16xf32>
    %dma_wait3A_896 = arith.constant 128 : i32
    %dma_wait3A_897 = tpu.memref_slice %arg7[%dma_wait3A_896] : memref<512xf32, #tpu.memory_space<vmem>> -> memref<128xf32, #tpu.memory_space<vmem>>
    %dma_wait3A_898 = arith.constant 128 : i32
    %dma_wait3A_899 = tpu.memref_slice %arg6[%dma_wait3A_898] : memref<512xi32, #tpu.memory_space<vmem>> -> memref<128xi32, #tpu.memory_space<vmem>>
    %dma_wait3A_900 = arith.constant 0 : i32
    %dma_wait3A_901 = tpu.memref_slice %arg2[%dma_wait3A_900] : memref<67108864xf32, #tpu.memory_space<hbm>> -> memref<67108864xf32, #tpu.memory_space<hbm>>
    tpu.wait_indirect_dma semaphore(%arg10 : memref<!tpu.dma_semaphore, #tpu.memory_space<semaphore_mem>>) src(%dma_wait3A_901 : memref<67108864xf32, #tpu.memory_space<hbm>>) dst(%dma_wait3A_897 : memref<128xf32, #tpu.memory_space<vmem>>)
    %get3A_902 = arith.constant 128 : index
    %get3A_903 = tpu.vector_load %arg7[%get3A_902] {strides = array<i32>} : memref<512xf32, #tpu.memory_space<vmem>>, vector<16xf32>,
    %get3A_904 = vector.shape_cast %get3A_903 : vector<16xf32> to vector<16xf32>
    %add3A_905 = arith.addf %add3A_895, %get3A_904 : vector<16xf32>
    %get3A_906 = arith.constant 144 : index
    %get3A_907 = tpu.vector_load %arg7[%get3A_906] {strides = array<i32>} : memref<512xf32, #tpu.memory_space<vmem>>, vector<16xf32>,
    %get3A_908 = vector.shape_cast %get3A_907 : vector<16xf32> to vector<16xf32>
    %add3A_909 = arith.addf %add3A_905, %get3A_908 : vector<16xf32>
    %get3A_910 = arith.constant 160 : index
    %get3A_911 = tpu.vector_load %arg7[%get3A_910] {strides = array<i32>} : memref<512xf32, #tpu.memory_space<vmem>>, vector<16xf32>,
    %get3A_912 = vector.shape_cast %get3A_911 : vector<16xf32> to vector<16xf32>
    %add3A_913 = arith.addf %add3A_909, %get3A_912 : vector<16xf32>
    %get3A_914 = arith.constant 176 : index
    %get3A_915 = tpu.vector_load %arg7[%get3A_914] {strides = array<i32>} : memref<512xf32, #tpu.memory_space<vmem>>, vector<16xf32>,
    %get3A_916 = vector.shape_cast %get3A_915 : vector<16xf32> to vector<16xf32>
    %add3A_917 = arith.addf %add3A_913, %get3A_916 : vector<16xf32>
    %get3A_918 = arith.constant 192 : index
    %get3A_919 = tpu.vector_load %arg7[%get3A_918] {strides = array<i32>} : memref<512xf32, #tpu.memory_space<vmem>>, vector<16xf32>,
    %get3A_920 = vector.shape_cast %get3A_919 : vector<16xf32> to vector<16xf32>
    %add3A_921 = arith.addf %add3A_917, %get3A_920 : vector<16xf32>
    %get3A_922 = arith.constant 208 : index
    %get3A_923 = tpu.vector_load %arg7[%get3A_922] {strides = array<i32>} : memref<512xf32, #tpu.memory_space<vmem>>, vector<16xf32>,
    %get3A_924 = vector.shape_cast %get3A_923 : vector<16xf32> to vector<16xf32>
    %add3A_925 = arith.addf %add3A_921, %get3A_924 : vector<16xf32>
    %get3A_926 = arith.constant 224 : index
    %get3A_927 = tpu.vector_load %arg7[%get3A_926] {strides = array<i32>} : memref<512xf32, #tpu.memory_space<vmem>>, vector<16xf32>,
    %get3A_928 = vector.shape_cast %get3A_927 : vector<16xf32> to vector<16xf32>
    %add3A_929 = arith.addf %add3A_925, %get3A_928 : vector<16xf32>
    %get3A_930 = arith.constant 240 : index
    %get3A_931 = tpu.vector_load %arg7[%get3A_930] {strides = array<i32>} : memref<512xf32, #tpu.memory_space<vmem>>, vector<16xf32>,
    %get3A_932 = vector.shape_cast %get3A_931 : vector<16xf32> to vector<16xf32>
    %add3A_933 = arith.addf %add3A_929, %get3A_932 : vector<16xf32>
    %dma_wait3A_934 = arith.constant 256 : i32
    %dma_wait3A_935 = tpu.memref_slice %arg7[%dma_wait3A_934] : memref<512xf32, #tpu.memory_space<vmem>> -> memref<128xf32, #tpu.memory_space<vmem>>
    %dma_wait3A_936 = arith.constant 256 : i32
    %dma_wait3A_937 = tpu.memref_slice %arg6[%dma_wait3A_936] : memref<512xi32, #tpu.memory_space<vmem>> -> memref<128xi32, #tpu.memory_space<vmem>>
    %dma_wait3A_938 = arith.constant 0 : i32
    %dma_wait3A_939 = tpu.memref_slice %arg2[%dma_wait3A_938] : memref<67108864xf32, #tpu.memory_space<hbm>> -> memref<67108864xf32, #tpu.memory_space<hbm>>
    tpu.wait_indirect_dma semaphore(%arg11 : memref<!tpu.dma_semaphore, #tpu.memory_space<semaphore_mem>>) src(%dma_wait3A_939 : memref<67108864xf32, #tpu.memory_space<hbm>>) dst(%dma_wait3A_935 : memref<128xf32, #tpu.memory_space<vmem>>)
    %get3A_940 = arith.constant 256 : index
    %get3A_941 = tpu.vector_load %arg7[%get3A_940] {strides = array<i32>} : memref<512xf32, #tpu.memory_space<vmem>>, vector<16xf32>,
    %get3A_942 = vector.shape_cast %get3A_941 : vector<16xf32> to vector<16xf32>
    %add3A_943 = arith.addf %add3A_933, %get3A_942 : vector<16xf32>
    %get3A_944 = arith.constant 272 : index
    %get3A_945 = tpu.vector_load %arg7[%get3A_944] {strides = array<i32>} : memref<512xf32, #tpu.memory_space<vmem>>, vector<16xf32>,
    %get3A_946 = vector.shape_cast %get3A_945 : vector<16xf32> to vector<16xf32>
    %add3A_947 = arith.addf %add3A_943, %get3A_946 : vector<16xf32>
    %get3A_948 = arith.constant 288 : index
    %get3A_949 = tpu.vector_load %arg7[%get3A_948] {strides = array<i32>} : memref<512xf32, #tpu.memory_space<vmem>>, vector<16xf32>,
    %get3A_950 = vector.shape_cast %get3A_949 : vector<16xf32> to vector<16xf32>
    %add3A_951 = arith.addf %add3A_947, %get3A_950 : vector<16xf32>
    %get3A_952 = arith.constant 304 : index
    %get3A_953 = tpu.vector_load %arg7[%get3A_952] {strides = array<i32>} : memref<512xf32, #tpu.memory_space<vmem>>, vector<16xf32>,
    %get3A_954 = vector.shape_cast %get3A_953 : vector<16xf32> to vector<16xf32>
    %add3A_955 = arith.addf %add3A_951, %get3A_954 : vector<16xf32>
    %get3A_956 = arith.constant 320 : index
    %get3A_957 = tpu.vector_load %arg7[%get3A_956] {strides = array<i32>} : memref<512xf32, #tpu.memory_space<vmem>>, vector<16xf32>,
    %get3A_958 = vector.shape_cast %get3A_957 : vector<16xf32> to vector<16xf32>
    %add3A_959 = arith.addf %add3A_955, %get3A_958 : vector<16xf32>
    %get3A_960 = arith.constant 336 : index
    %get3A_961 = tpu.vector_load %arg7[%get3A_960] {strides = array<i32>} : memref<512xf32, #tpu.memory_space<vmem>>, vector<16xf32>,
    %get3A_962 = vector.shape_cast %get3A_961 : vector<16xf32> to vector<16xf32>
    %add3A_963 = arith.addf %add3A_959, %get3A_962 : vector<16xf32>
    %get3A_964 = arith.constant 352 : index
    %get3A_965 = tpu.vector_load %arg7[%get3A_964] {strides = array<i32>} : memref<512xf32, #tpu.memory_space<vmem>>, vector<16xf32>,
    %get3A_966 = vector.shape_cast %get3A_965 : vector<16xf32> to vector<16xf32>
    %add3A_967 = arith.addf %add3A_963, %get3A_966 : vector<16xf32>
    %get3A_968 = arith.constant 368 : index
    %get3A_969 = tpu.vector_load %arg7[%get3A_968] {strides = array<i32>} : memref<512xf32, #tpu.memory_space<vmem>>, vector<16xf32>,
    %get3A_970 = vector.shape_cast %get3A_969 : vector<16xf32> to vector<16xf32>
    %add3A_971 = arith.addf %add3A_967, %get3A_970 : vector<16xf32>
    %dma_wait3A_972 = arith.constant 384 : i32
    %dma_wait3A_973 = tpu.memref_slice %arg7[%dma_wait3A_972] : memref<512xf32, #tpu.memory_space<vmem>> -> memref<128xf32, #tpu.memory_space<vmem>>
    %dma_wait3A_974 = arith.constant 384 : i32
    %dma_wait3A_975 = tpu.memref_slice %arg6[%dma_wait3A_974] : memref<512xi32, #tpu.memory_space<vmem>> -> memref<128xi32, #tpu.memory_space<vmem>>
    %dma_wait3A_976 = arith.constant 0 : i32
    %dma_wait3A_977 = tpu.memref_slice %arg2[%dma_wait3A_976] : memref<67108864xf32, #tpu.memory_space<hbm>> -> memref<67108864xf32, #tpu.memory_space<hbm>>
    tpu.wait_indirect_dma semaphore(%arg12 : memref<!tpu.dma_semaphore, #tpu.memory_space<semaphore_mem>>) src(%dma_wait3A_977 : memref<67108864xf32, #tpu.memory_space<hbm>>) dst(%dma_wait3A_973 : memref<128xf32, #tpu.memory_space<vmem>>)
    %get3A_978 = arith.constant 384 : index
    %get3A_979 = tpu.vector_load %arg7[%get3A_978] {strides = array<i32>} : memref<512xf32, #tpu.memory_space<vmem>>, vector<16xf32>,
    %get3A_980 = vector.shape_cast %get3A_979 : vector<16xf32> to vector<16xf32>
    %add3A_981 = arith.addf %add3A_971, %get3A_980 : vector<16xf32>
    %get3A_982 = arith.constant 400 : index
    %get3A_983 = tpu.vector_load %arg7[%get3A_982] {strides = array<i32>} : memref<512xf32, #tpu.memory_space<vmem>>, vector<16xf32>,
    %get3A_984 = vector.shape_cast %get3A_983 : vector<16xf32> to vector<16xf32>
    %add3A_985 = arith.addf %add3A_981, %get3A_984 : vector<16xf32>
    %get3A_986 = arith.constant 416 : index
    %get3A_987 = tpu.vector_load %arg7[%get3A_986] {strides = array<i32>} : memref<512xf32, #tpu.memory_space<vmem>>, vector<16xf32>,
    %get3A_988 = vector.shape_cast %get3A_987 : vector<16xf32> to vector<16xf32>
    %add3A_989 = arith.addf %add3A_985, %get3A_988 : vector<16xf32>
    %get3A_990 = arith.constant 432 : index
    %get3A_991 = tpu.vector_load %arg7[%get3A_990] {strides = array<i32>} : memref<512xf32, #tpu.memory_space<vmem>>, vector<16xf32>,
    %get3A_992 = vector.shape_cast %get3A_991 : vector<16xf32> to vector<16xf32>
    %add3A_993 = arith.addf %add3A_989, %get3A_992 : vector<16xf32>
    %get3A_994 = arith.constant 448 : index
    %get3A_995 = tpu.vector_load %arg7[%get3A_994] {strides = array<i32>} : memref<512xf32, #tpu.memory_space<vmem>>, vector<16xf32>,
    %get3A_996 = vector.shape_cast %get3A_995 : vector<16xf32> to vector<16xf32>
    %add3A_997 = arith.addf %add3A_993, %get3A_996 : vector<16xf32>
    %get3A_998 = arith.constant 464 : index
    %get3A_999 = tpu.vector_load %arg7[%get3A_998] {strides = array<i32>} : memref<512xf32, #tpu.memory_space<vmem>>, vector<16xf32>,
    %get3A_1000 = vector.shape_cast %get3A_999 : vector<16xf32> to vector<16xf32>
    %add3A_1001 = arith.addf %add3A_997, %get3A_1000 : vector<16xf32>
    %get3A_1002 = arith.constant 480 : index
    %get3A_1003 = tpu.vector_load %arg7[%get3A_1002] {strides = array<i32>} : memref<512xf32, #tpu.memory_space<vmem>>, vector<16xf32>,
    %get3A_1004 = vector.shape_cast %get3A_1003 : vector<16xf32> to vector<16xf32>
    %add3A_1005 = arith.addf %add3A_1001, %get3A_1004 : vector<16xf32>
    %get3A_1006 = arith.constant 496 : index
    %get3A_1007 = tpu.vector_load %arg7[%get3A_1006] {strides = array<i32>} : memref<512xf32, #tpu.memory_space<vmem>>, vector<16xf32>,
    %get3A_1008 = vector.shape_cast %get3A_1007 : vector<16xf32> to vector<16xf32>
    %add3A_1009 = arith.addf %add3A_1005, %get3A_1008 : vector<16xf32>
    %swap3A_1010 = arith.constant 0 : index
    %swap3A_1011 = tpu.vector_load %arg8[%swap3A_1010] {strides = array<i32>} : memref<16xf32, #tpu.memory_space<vmem>>, vector<16xf32>,
    %swap3A_1012 = vector.shape_cast %swap3A_1011 : vector<16xf32> to vector<16xf32>
    %swap3A_1013 = vector.shape_cast %add3A_1009 : vector<16xf32> to vector<16xf32>
    tpu.vector_store %arg8[%swap3A_1010], %swap3A_1013 {strides = array<i32>} : memref<16xf32, #tpu.memory_space<vmem>>, vector<16xf32>,
    "tpu.region"() ({
      %run_scoped3A = tpu.sem_alloc : memref<!tpu.dma_semaphore, #tpu.memory_space<semaphore_mem>>
      %dma_start3A_1014 = arith.constant 0 : i32
      %dma_start3A_1015 = tpu.memref_slice %arg4[%add3A, %dma_start3A_1014] : memref<32x16xf32, #tpu.memory_space<hbm>> -> memref<1x16xf32, #tpu.memory_space<hbm>>
      %dma_start3A_1016 = tpu.memref_squeeze %dma_start3A_1015 : memref<1x16xf32, #tpu.memory_space<hbm>> -> memref<16xf32, #tpu.memory_space<hbm>>
      %dma_start3A_1017 = arith.constant 0 : i32
      %dma_start3A_1018 = tpu.memref_slice %arg4[%add3A, %dma_start3A_1017] : memref<32x16xf32, #tpu.memory_space<hbm>> -> memref<1x16xf32, #tpu.memory_space<hbm>>
      %dma_start3A_1019 = tpu.memref_squeeze %dma_start3A_1018 : memref<1x16xf32, #tpu.memory_space<hbm>> -> memref<16xf32, #tpu.memory_space<hbm>>
      tpu.enqueue_dma source(%arg8 : memref<16xf32, #tpu.memory_space<vmem>>) target(%dma_start3A_1019 : memref<16xf32, #tpu.memory_space<hbm>>) target_semaphore(%run_scoped3A : memref<!tpu.dma_semaphore, #tpu.memory_space<semaphore_mem>>)
      %dma_wait3A_1020 = arith.constant 0 : i32
      %dma_wait3A_1021 = tpu.memref_slice %arg4[%add3A, %dma_wait3A_1020] : memref<32x16xf32, #tpu.memory_space<hbm>> -> memref<1x16xf32, #tpu.memory_space<hbm>>
      %dma_wait3A_1022 = tpu.memref_squeeze %dma_wait3A_1021 : memref<1x16xf32, #tpu.memory_space<hbm>> -> memref<16xf32, #tpu.memory_space<hbm>>
      %dma_wait3A_1023 = arith.constant 0 : i32
      %dma_wait3A_1024 = tpu.memref_slice %arg4[%add3A, %dma_wait3A_1023] : memref<32x16xf32, #tpu.memory_space<hbm>> -> memref<1x16xf32, #tpu.memory_space<hbm>>
      %dma_wait3A_1025 = tpu.memref_squeeze %dma_wait3A_1024 : memref<1x16xf32, #tpu.memory_space<hbm>> -> memref<16xf32, #tpu.memory_space<hbm>>
      tpu.wait_dma2 semaphore(%run_scoped3A : memref<!tpu.dma_semaphore, #tpu.memory_space<semaphore_mem>>) src(%arg8 : memref<16xf32, #tpu.memory_space<vmem>>) dst(%dma_wait3A_1025 : memref<16xf32, #tpu.memory_space<hbm>>)
      tpu.yield
    }) : () -> ()
    return
  }
}

</mosaic_0001>

<sc_bundles>
// kernel: kernel.3.cloned.1.call-start
scs
__scs_entry_jumppad:
0x0: {  	(pc) =	sbr.rel $0x88, $3  }
0x1: {  	(tag) =	ssettag $0x0;
	lr =	simm.s32 $0x1  }
0x2: {  	[smem:$0x3F9F] =	sst lr;
	_ =	strace $0xD0000000  }
0x3: {  	_ = 	snop  }
0x4: {  	_ = 	snop  }
0x5: {  	_ = 	snop  }
0x6: {  	_ = 	snop  }
0x7: {  	_ = 	snop  }
__scs_overlays_trampoline_lowered:
0x8: {  	[smem:$0x3FAE] =	sst s0  }
0x9: {  	[smem:$0x3FAF] =	sst s1  }
0xa: {  	[smem:$0x3FB0] =	sst s2  }
0xb: {  	[smem:$0x3FB1] =	sst s3  }
0xc: {  	[smem:$0x3FB2] =	sst s4  }
0xd: {  	[smem:$0x3FB3] =	sst s5  }
0xe: {  	[smem:$0x3FB4] =	sst s6  }
0xf: {  	[smem:$0x3FB5] =	sst s7  }
0x10: {  	[smem:$0x3FB6] =	sst s8  }
0x11: {  	[smem:$0x3FB7] =	sst s9;
	s0 =	simm.s32 @!p0 $0x0  }
0x12: {  	s1 =	sld [smem:$0x3F9D];
	s0 =	simm.s32 @p0 $0x1  }
0x13: {  	[smem:$0x3FB8] =	sst s0;
	s0 =	simm.s32 @!p1 $0x0  }
0x14: {  	s2 =	sld [smem:$0x3F9C];
	s0 =	simm.s32 @p1 $0x1  }
0x15: {  	[smem:$0x3FB9] =	sst s0;
	s0 =	simm.s32 @!p2 $0x0  }
0x16: {  	s3 =	sld [smem:$0x3FDB];
	s0 =	simm.s32 @p2 $0x1  }
0x17: {  	s4 =	simm.s32 $0x1BF5;
	[smem:$0x3FBB] =	sst s0  }
0x18: {  	s0 =	sld [smem:$0x3F9E];
	_ =	swait.ge [sflag:s4], $0x0  }
0x19: {  	s7 =	sld [smem:$0x3F9F]  }
0x1a: {  	s8 =	sadd.s32 $0xFFFFE003, lr  }
0x1b: {  	s9 =	sadd.s32 $0xFFFFFEF7, lr;
	s5 =	simm.s32 $0xFFFFFFFF;
	p2 =	slt.u32 s8, $0xFFFFF086  }
0x1c: {  	p1 =	slt.u32 s9, $0xF7A;
	s5 =	simm.s32 @!p2 $0x0  }
0x1d: {  	s5 =	simm.s32 @p1 $0x1;
	p0 =	seq.s32 s7, s2  }
0x1e: {  	s7 =	smul.u32 @!p0 $0xF7A, s2;
	p2 =	seq.s32 @!p0 s5, $0x0  }
0x1f: {  	s9 =	smul.u32 $0xF7A, s1;
	s8 =	simm.s32 @!p0 $0x1BF5;
	p2 =	por !p2, p0  }
0x20: {  	[sflag:s8] =	ssyncset.s32 @!p0 $0xFFFFF086;
	s6 =	sadd.s32 @!p0 s3, s7;
	s7 =	simm.s32 @!p0 $0x108  }
0x21: {  	s3 =	sadd.s32 s3, s9;
	s6 =	sadd.s32 @!p0 $0x88, s6;
	s7 =	simm.s32 @p2 $0x1082  }
0x22: {  	[simem:s7], [sflag:s8] =	dma.local @!p0 [hbm:s6], $0xF7A  }
0x23: {  	s9 =	sor.u32 $0xD0000000, s2;
	s6 =	simm.s32 $0x108;
	_ =	swait.ge @!p0 [sflag:s8], $0x0  }
0x24: {  	s3 =	sadd.s32 $0x88, s3;
	s6 =	simm.s32 @!p1 $0x1082;
	[sflag:s4] =	ssyncset.s32 $0xFFFFF086  }
0x25: {  	[simem:s6], [sflag:s4] =	dma.local [hbm:s3], $0xF7A  }
0x26: {  	[smem:$0x3F9F] =	sst s1;
	(tag) =	ssettag s2;
	_ =	strace s9  }
0x27: {  	s1 =	sld [smem:$0x3FAF]  }
0x28: {  	s2 =	sld [smem:$0x3FB0]  }
0x29: {  	s4 =	sld [smem:$0x3FB2]  }
0x2a: {  	p0 =	seq.s32 s5, $0x0;
	s5 =	sld [smem:$0x3FB3]  }
0x2b: {  	s6 =	sld [smem:$0x3FB4]  }
0x2c: {  	s7 =	sld [smem:$0x3FB5]  }
0x2d: {  	s3 =	simm.s32 $0x108;
	s8 =	sld [smem:$0x3FB6]  }
0x2e: {  	s3 =	simm.s32 @!p0 $0x1082;
	s9 =	sld [smem:$0x3FB7]  }
0x2f: {  	lr =	sadd.s32 s0, s3;
	s0 =	sld [smem:$0x3FAE]  }
0x30: {  	s3 =	sld [smem:$0x3FB1]  }
0x31: {  	[smem:$0x3FBA] =	sst s10  }
0x32: {  	s10 =	sld [smem:$0x3FB8];
	_ =	sdelay $0x3  }
0x33: {  	p0 =	seq.s32 s10, $0x1;
	s10 =	sld [smem:$0x3FBA];
	_ =	sdelay $0x3  }
0x34: {  	[smem:$0x3FBA] =	sst s10  }
0x35: {  	s10 =	sld [smem:$0x3FB9];
	_ =	sdelay $0x3  }
0x36: {  	p1 =	seq.s32 s10, $0x1;
	s10 =	sld [smem:$0x3FBA];
	_ =	sdelay $0x3  }
0x37: {  	[smem:$0x3FBA] =	sst s10  }
0x38: {  	s10 =	sld [smem:$0x3FBB]  }
0x39: {  	_ = 	snop;
	(pc) =	sbr.ind lr, $3  }
0x3a: {  	_ = 	snop  }
0x3b: {  	_ = 	snop  }
0x3c: {  	p2 =	seq.s32 s10, $0x1;
	s10 =	sld [smem:$0x3FBA]  }
0x3d: {  	_ =	shalt  }
0x3e: {  	_ =	shalt  }
0x3f: {  	_ =	shalt  }
0x40: {  	_ =	shalt  }
0x41: {  	_ =	shalt  }
0x42: {  	_ =	shalt  }
0x43: {  	_ =	shalt  }
0x44: {  	_ =	shalt  }
0x45: {  	_ =	shalt  }
0x46: {  	_ =	shalt  }
0x47: {  	_ =	shalt  }
0x48: {  	_ =	shalt  }
0x49: {  	_ =	shalt  }
0x4a: {  	_ =	shalt  }
0x4b: {  	_ =	shalt  }
0x4c: {  	_ =	shalt  }
0x4d: {  	_ =	shalt  }
0x4e: {  	_ =	shalt  }
0x4f: {  	_ =	shalt  }
0x50: {  	_ =	shalt  }
0x51: {  	_ =	shalt  }
0x52: {  	_ =	shalt  }
0x53: {  	_ =	shalt  }
0x54: {  	_ =	shalt  }
0x55: {  	_ =	shalt  }
0x56: {  	_ =	shalt  }
0x57: {  	_ =	shalt  }
0x58: {  	_ =	shalt  }
0x59: {  	_ =	shalt  }
0x5a: {  	_ =	shalt  }
0x5b: {  	_ =	shalt  }
0x5c: {  	_ =	shalt  }
0x5d: {  	_ =	shalt  }
0x5e: {  	_ =	shalt  }
0x5f: {  	_ =	shalt  }
0x60: {  	_ =	shalt  }
0x61: {  	_ =	shalt  }
0x62: {  	_ =	shalt  }
0x63: {  	_ =	shalt  }
0x64: {  	_ =	shalt  }
0x65: {  	_ =	shalt  }
0x66: {  	_ =	shalt  }
0x67: {  	_ =	shalt  }
0x68: {  	_ =	shalt  }
0x69: {  	_ =	shalt  }
0x6a: {  	_ =	shalt  }
0x6b: {  	_ =	shalt  }
0x6c: {  	_ =	shalt  }
0x6d: {  	_ =	shalt  }
0x6e: {  	_ =	shalt  }
0x6f: {  	_ =	shalt  }
0x70: {  	_ =	shalt  }
0x71: {  	_ =	shalt  }
0x72: {  	_ =	shalt  }
0x73: {  	_ =	shalt  }
0x74: {  	_ =	shalt  }
0x75: {  	_ =	shalt  }
0x76: {  	_ =	shalt  }
0x77: {  	_ =	shalt  }
0x78: {  	_ =	shalt  }
0x79: {  	_ =	shalt  }
0x7a: {  	_ =	shalt  }
0x7b: {  	_ =	shalt  }
0x7c: {  	_ =	shalt  }
0x7d: {  	_ =	shalt  }
0x7e: {  	_ =	shalt  }
0x7f: {  	_ =	shalt  }
0x80: {  	_ =	shalt  }
0x81: {  	_ =	shalt  }
0x82: {  	_ =	shalt  }
0x83: {  	_ =	shalt  }
0x84: {  	_ =	shalt  }
0x85: {  	_ =	shalt  }
0x86: {  	_ =	shalt  }
0x87: {  	_ =	shalt  }
.Lfunc_end0:
.L_simem_size_0:
called_computation_lowered:
.L_overlay_start_0:
0x88: {  	s2 =	sld [smem:$0x3FD9]  }
0x89: {  	s3 =	sld [smem:$0x3FFE];
	_ =	sdelay $0x1  }
0x8a: {  	s1 =	srdreg.scid  }
0x8b: {  	s0 =	sand.u32 $0x1, s1  }
0x8c: {  	s17 =	sshll.u32 s0, $0xA;
	s2 =	sadd.s32 s3, s2  }
0x8d: {  	s2 =	sadd.s32 s2, s17  }
0x8e: {  	[smem:$0x3FC6] =	sst s2  }
0x8f: {  	_ = 	snop  }
0x90: {  	s2 =	sld [smem:$0x3FC9];
	(tm) =	ssettm $0x1  }
0x91: {  	s18 =	sld [smem:$0x3FFB];
	_ =	sdelay $0x3  }
0x92: {  	_ =	strace s18  }
0x93: {  	s3 =	sld [smem:$0x3FFC];
	_ =	sdelay $0x3  }
0x94: {  	_ =	strace s3  }
0x95: {  	s3 =	sld [smem:$0x3FFD];
	_ =	sdelay $0x3  }
0x96: {  	_ =	strace s3  }
0x97: {  	_ =	strace $0x8FFFFFFF  }
0x98: {  	s19 =	sld [smem:$0x3FDB];
	_ =	sdelay $0x1  }
0x99: {  	s4 =	simm.s32 $_scs_section_size  }
0x9a: {  	s5 =	simm.s32 $_size__tile_overlayer_lowered;
	s6 =	simm.s32 $_tile_overlayer_lowered  }
0x9b: {  	s22 =	simm.s32 $0x1BFF;
	s21 =	sshll.u32 s6, $0x1;
	s3 =	sadd.s32 s4, s19  }
0x9c: {  	s7 =	simm.s32 $0x0;
	s20 =	sshll.u32 s5, $0x1;
	s5 =	sadd.s32 s21, s3  }
0x9d: {  	[timem:s7], [sflag:s22] =	dma.local [hbm:s5], s20  }
0x9e: {  	_ =	swait.ge [sflag:s22], s20  }
0x9f: {  	s4 =	ssub.s32 $0x0, s20;
	[sflag:s22] =	ssyncset.done $0x0  }
0xa0: {  	[sflag:s22] =	ssyncadd.s32 s4;
	_ =	sdelay $0x1  }
0xa1: {  	s23 =	simm.s32 $0x1B8B  }
0xa2: {  	_ =	swait.ge [sflag:s23], $0x1  }
0xa3: {  	[sflag:s23] =	ssyncset.done $0x0  }
0xa4: {  	s25 =	simm.s32 $0x1B8E;
	s24 =	sld [smem:$0x3FFE];
	[sflag:s23] =	ssyncadd.s32 $0xFFFFFFFF  }
0xa5: {  	s26 =	simm.s32 $execute0_lowered;
	[smem:$0x3FD2] =	sst s25  }
0xa6: {  	s5 =	sshll.u32 s26, $0x1;
	_ =	strace $0x80000046;
	[dreg:$0x1] =	wrdreg $0xFFFFFFFF  }
0xa7: {  	s28 =	simm.s32 $_size_execute0_lowered;
	s3 =	sadd.s32 s3, s5;
	[dreg:$0x0] =	wrdreg $0x0  }
0xa8: {  	s5 =	sshll.u32 s28, $0x1;
	[dreg:$0x2] =	wrdreg s3  }
0xa9: {  	[dreg:$0x3] =	wrdreg s5  }
0xaa: {  	[dreg:$0x4] =	wrdreg $0xC0  }
0xab: {  	_ =	task [dreg:s7], $0x5FFFF  }
0xac: {  	[dreg:$0x1] =	wrdreg $0xFFFFFFFF  }
0xad: {  	[dreg:$0x0] =	wrdreg $0x60  }
0xae: {  	[dreg:$0x2] =	wrdreg s2  }
0xaf: {  	[dreg:$0x3] =	wrdreg s24  }
0xb0: {  	[dreg:$0x4] =	wrdreg $0x9  }
0xb1: {  	_ =	task.clear_ibuf [dreg:s7], $0x5FFFF;
	_ =	strace $0x90000046  }
0xb2: {  	s29 =	simm.s32 $0x9;
	_ =	strace $0x80000048  }
0xb3: {  	_ =	swait.ge [sflag:s29], $0x1  }
0xb4: {  	[sflag:s29] =	ssyncadd.s32 $0xFFFFFFFF  }
0xb5: {  	_ =	strace $0x90000048  }
0xb6: {  	_ =	sfence  }
0xb7: {  	s30 =	sld [smem:$0x0];
	_ =	sdelay $0x2  }
0xb8: {  	s31 =	sshll.u32 s1, $0xD;
	s1 =	sshrl.u32 s1, $0x2  }
0xb9: {  	s3 =	sand.u32 $0x4000, s31;
	s1 =	sadd.s32 s1, s30  }
0xba: {  	s0 =	sor.u32 s3, s0;
	s1 =	sshll.u32 s1, $0x11  }
0xbb: {  	s0 =	sor.u32 s1, s0  }
0xbc: {  	s0 =	sadd.s32 $0x8F2B, s0  }
0xbd: {  	[sflag:s0] =	ssyncadd.remote.s32 $0x1  }
0xbe: {  	_ =	sfence.sel $0xFFFF  }
0xbf: {  	[dreg:$0x0] =	wrdreg $0xFFFFFFFF;
	(pc) =	sbr.abs _section_cstart, $3  }
0xc0: {  	[dreg:$0x1] =	wrdreg $0xFFFFFFFF  }
0xc1: {  	_ =	task.clear_ibuf [dreg:s7], $0x2FFFF;
	_ =	strace $0x9FFFFFFF  }
0xc2: {  	(tm) =	ssettm $0x7FFFFFFF  }
0xc3: {  	_ =	shalt  }
tec
execute0_lowered:
.L_overlay_start_1:
0x0: {  	(tag) =	ssettag $0x1  }
0x1: {  	s1 =	rddreg [dreg:$0x0];
	s2 =	srdreg.scid  }
0x2: {  	s0 =	stileid.u32;
	s7 =	rddreg [dreg:$0x1];
	v0 =	vimm.s32 $0x8380;
	vm0 =	vcmask $0x300  }
0x3: {  	s3 =	simm.s32 $0x0;
	vm14 =	vcmask $0x704;
	s4 =	sand.u32 $0x1, s2;
	s5 =	sshll.u32 s0, $0x1;
	v0 =	vsel vm0, $0x0, v0  }
0x4: {  	vm15 =	vcmask $0xB08;
	[smem:$0x7FF] =	sst s3;
	s10 =	sor.u32 s4, s5;
	v0 =	vsel vm14, $0x80, v0  }
0x5: {  	vm4 =	vcmask $0xF0C;
	_ =	strace $0x80000047;
	s4 =	ssub.s32 $0x2, s4;
	s5 =	sshll.u32 s10, $0x4;
	v0 =	vsel vm15, $0x100, v0  }
0x6: {  	vm5 =	vcmask $0x1310;
	s22 =	sshrl.u32 s4, $0x1;
	s6 =	sshll.u32 s10, $0x9;
	s11 =	sshll.u32 s10, $0x6;
	v0 =	vsel vm4, $0x180, v0  }
0x7: {  	vm6 =	vcmask $0x1714;
	s10 =	sshll.u32 s10, $0x15;
	s8 =	sadd.s32 s5, s7;
	s9 =	ssub.s32 s4, s22;
	v0 =	vsel vm5, $0x200, v0  }
0x8: {  	vm7 =	vcmask $0x1B18;
	s4 =	sadd.s32 s7, s11;
	s23 =	sor.u32 $0x80, s6;
	s12 =	sor.u32 $0x100, s6;
	v0 =	vsel vm6, $0x280, v0  }
0x9: {  	vm8 =	vcmask $0x1F1C;
	s13 =	sor.u32 $0x180, s6;
	s15 =	sor.u32 $0x20000, s10;
	s16 =	sor.u32 $0x30000, s10;
	v0 =	vsel vm7, $0x300, v0  }
0xa: {  	vm9 =	vcmask $0x2320;
	s17 =	sor.u32 $0x40000, s10;
	s18 =	sor.u32 $0x50000, s10;
	s19 =	sor.u32 $0x60000, s10;
	v0 =	vsel vm8, $0x380, v0  }
0xb: {  	vm10 =	vcmask $0x2724;
	s20 =	sor.u32 $0x70000, s10;
	s21 =	sor.u32 $0x90000, s10;
	s22 =	sor.u32 $0xA0000, s10;
	v0 =	vsel vm9, $0x8000, v0  }
0xc: {  	vm11 =	vcmask $0x2B28;
	s29 =	sor.u32 $0xF0000, s10;
	s30 =	sor.u32 $0x110000, s10;
	s31 =	sor.u32 $0x120000, s10;
	v0 =	vsel vm10, $0x8080, v0  }
0xd: {  	vm12 =	vcmask $0x2F2C;
	s0 =	sor.u32 $0x150000, s10;
	s28 =	sor.u32 $0x190000, s10;
	s24 =	sshrl.u32 s23, $0x3;
	v0 =	vsel vm11, $0x8100, v0  }
0xe: {  	vm13 =	vcmask $0x3330;
	s25 =	sshrl.u32 s12, $0x3;
	s14 =	sshrl.u32 s13, $0x3;
	s26 =	sshll.u32 s12, $0xC;
	v0 =	vsel vm12, $0x8180, v0  }
0xf: {  	vm14 =	vcmask $0x3734;
	s11 =	sshll.u32 s23, $0xC;
	s2 =	sshll.u32 s13, $0xC;
	[dreg:$0x9] =	wrdreg s26;
	v0 =	vsel vm13, $0x8200, v0  }
0x10: {  	vm15 =	vcmask $0x3B38;
	s23 =	sor.u32 $0xB0000, s10;
	s12 =	sor.u32 $0x140000, s10;
	[dreg:$0x3] =	wrdreg s2;
	v0 =	vsel vm14, $0x8280, v0  }
0x11: {  	s13 =	sor.u32 $0xE0000, s10;
	s8 =	sadd.s32 $0x800, s8;
	[dreg:$0xa] =	wrdreg s12;
	v31 =	vsel vm15, $0x8300, v0  }
0x12: {  	s5 =	sadd.s32 s7, s24;
	s24 =	sor.u32 $0xC0000, s10;
	v11 =	vor.u32 s23, v31;
	s23 =	rddreg [dreg:$0x9]  }
0x13: {  	s9 =	smax.u32 s9, $0x1;
	s26 =	sor.u32 $0x160000, s10;
	v12 =	vor.u32 s24, v31;
	s24 =	rddreg [dreg:$0xa]  }
0x14: {  	s6 =	sadd.s32 s7, s25;
	v1 =	vor.u32 s15, v31;
	s15 =	sor.u32 $0x170000, s10;
	v22 =	vor.u32 s26, v31;
	s26 =	rddreg [dreg:$0x3]  }
0x15: {  	s7 =	sadd.s32 s7, s14;
	v2 =	vor.u32 s16, v31;
	s16 =	sor.u32 $0x1A0000, s10;
	[dreg:$0x8] =	wrdreg s15  }
0x16: {  	s14 =	sor.u32 $0x10000, s10;
	v3 =	vor.u32 s17, v31;
	s17 =	sor.u32 $0x1B0000, s10;
	[dreg:$0x4] =	wrdreg s16  }
0x17: {  	s25 =	sor.u32 $0xD0000, s10;
	v4 =	vor.u32 s18, v31;
	s18 =	sor.u32 $0x1C0000, s10;
	[dreg:$0x5] =	wrdreg s17  }
0x18: {  	s2 =	sor.u32 $0x130000, s10;
	v5 =	vor.u32 s19, v31;
	s19 =	sor.u32 $0x1D0000, s10;
	[dreg:$0xb] =	wrdreg s18  }
0x19: {  	s12 =	simm.s32 $0x180;
	v6 =	vor.u32 s20, v31;
	s20 =	sor.u32 $0x1E0000, s10;
	[dreg:$0x6] =	wrdreg s19  }
0x1a: {  	v7 =	vor.u32 s11, v31;
	v10 =	vor.u32 s10, v31;
	s10 =	sor.u32 $0x1F0000, s10;
	s11 =	simm.s32 $0x100;
	[dreg:$0x7] =	wrdreg s20  }
0x1b: {  	v0 =	vor.u32 s14, v31;
	v14 =	vor.u32 s13, v31;
	s13 =	simm.s32 $0x5;
	s14 =	simm.s32 $0x200;
	[dreg:$0xc] =	wrdreg s10  }
0x1c: {  	v8 =	vor.u32 s21, v31;
	v9 =	vor.u32 s22, v31;
	v13 =	vor.u32 s25, v31;
	s21 =	simm.s32 $0x500;
	s22 =	simm.s32 $0x8;
	s25 =	rddreg [dreg:$0x8]  }
0x1d: {  	v15 =	vor.u32 s29, v31;
	v19 =	vor.u32 s2, v31;
	v25 =	vor.u32 s28, v31;
	s28 =	simm.s32 $0x3;
	s29 =	simm.s32 $0x4;
	s2 =	rddreg [dreg:$0x4]  }
0x1e: {  	v17 =	vor.u32 s30, v31;
	v18 =	vor.u32 s31, v31;
	s30 =	simm.s32 $0x600;
	s31 =	simm.s32 $0x9;
	v24 =	vor.u32 s26, v31;
	s26 =	rddreg [dreg:$0xb]  }
0x1f: {  	s10 =	simm.s32 $0x80;
	s15 =	simm.s32 $0x400;
	v23 =	vor.u32 s25, v31;
	s25 =	rddreg [dreg:$0x5]  }
0x20: {  	s16 =	simm.s32 $0x6;
	s17 =	simm.s32 $0x280;
	v26 =	vor.u32 s2, v31;
	s2 =	rddreg [dreg:$0x6]  }
0x21: {  	v21 =	vor.u32 s0, v31;
	s18 =	simm.s32 $0x480;
	s19 =	simm.s32 $0x7;
	v29 =	vor.u32 s2, v31;
	s2 =	rddreg [dreg:$0x7]  }
0x22: {  	v16 =	vor.u32 s23, v31;
	v20 =	vor.u32 s24, v31;
	s20 =	simm.s32 $0x300;
	s23 =	simm.s32 $0x380;
	v30 =	vor.u32 s2, v31;
	s2 =	rddreg [dreg:$0xc]  }
0x23: {  	s24 =	simm.s32 $0x580;
	v28 =	vor.u32 s26, v31;
	s26 =	simm.s32 $0x2;
	v27 =	vor.u32 s25, v31;
	s25 =	simm.s32 $0x1;
	v31 =	vor.u32 s2, v31  }
.LBB2_1:
0x24: {  	[tilespmem:s3], [sflag:$0x5] =	stream.linear.gather [hbm4b:s4+s3], $0x80, $0x38;
	[tilespmem:$0x680] =	vst v63  }
0x25: {  	_ = 	snop  }
0x26: {  	[tilespmem:s10], [sflag:$0x6] =	stream.linear.gather [hbm4b:s5+s3], $0x80, $0x38;
	[tilespmem:$0x680] =	vst v63  }
0x27: {  	_ = 	snop  }
0x28: {  	[tilespmem:s11], [sflag:$0x7] =	stream.linear.gather [hbm4b:s6+s3], $0x80, $0x38;
	[tilespmem:$0x680] =	vst v63  }
0x29: {  	_ = 	snop  }
0x2a: {  	[tilespmem:s12], [sflag:$0x8] =	stream.linear.gather [hbm4b:s7+s3], $0x80, $0x38;
	[tilespmem:$0x680] =	vst v63  }
0x2b: {  	_ =	swait.ge [sflag:s13], $0x80  }
0x2c: {  	[sflag:s13] =	ssyncset.done $0x0  }
0x2d: {  	[sflag:s13] =	ssyncadd.s32 $0xFFFFFF80  }
0x2e: {  	v32 =	vld [tilespmem:$0x0]  }
0x2f: {  	v33 =	vld [tilespmem:$0x10]  }
0x30: {  	v34 =	vld [tilespmem:$0x20]  }
0x31: {  	v36 =	vld [tilespmem:$0x30]  }
0x32: {  	v38 =	vld [tilespmem:$0x40]  }
0x33: {  	v46 =	vld [tilespmem:$0x50]  }
0x34: {  	v40 =	vld [tilespmem:$0x60]  }
0x35: {  	v41 =	vld [tilespmem:$0x70]  }
0x36: {  	v35 =	vshll.u32 v32, $0x3;
	v32 =	vand.u32 $0x7F, v32;
	v37 =	vshll.u32 v33, $0x3  }
0x37: {  	v33 =	vand.u32 $0x7F, v33;
	v45 =	vshll.u32 v34, $0x3;
	v34 =	vand.u32 $0x7F, v34  }
0x38: {  	v39 =	vshll.u32 v36, $0x3;
	v36 =	vand.u32 $0x7F, v36;
	v48 =	vshll.u32 v38, $0x3  }
0x39: {  	v38 =	vand.u32 $0x7F, v38;
	v53 =	vshll.u32 v46, $0x3;
	v54 =	vand.u32 $0x7F, v46  }
0x3a: {  	v57 =	vshll.u32 v40, $0x3;
	v60 =	vand.u32 $0x7F, v40;
	v62 =	vshll.u32 v41, $0x3  }
0x3b: {  	v63 =	vand.u32 $0x7F, v41;
	v35 =	vand.u32 $0xFFFFFC00, v35;
	v32 =	vor.u32 v32, v10  }
0x3c: {  	v44 =	vand.u32 $0xFFFFFC00, v37;
	v33 =	vor.u32 v33, v0;
	v32 =	vadd.s32 v35, v32  }
0x3d: {  	v47 =	vand.u32 $0xFFFFFC00, v39;
	v36 =	vor.u32 v36, v2;
	v33 =	vadd.s32 v44, v33;
	[tilespmem:$0x200] =	vst v32  }
0x3e: {  	v50 =	vand.u32 $0xFFFFFC00, v48;
	v51 =	vor.u32 v38, v3;
	v49 =	vadd.s32 v47, v36;
	[tilespmem:$0x210] =	vst v33  }
0x3f: {  	v55 =	vand.u32 $0xFFFFFC00, v53;
	v56 =	vor.u32 v54, v4;
	v52 =	vadd.s32 v50, v51;
	[tilespmem:$0x230] =	vst v49  }
0x40: {  	v59 =	vand.u32 $0xFFFFFC00, v57;
	v61 =	vor.u32 v60, v5;
	v58 =	vadd.s32 v55, v56;
	[tilespmem:$0x240] =	vst v52  }
0x41: {  	v39 =	vand.u32 $0xFFFFFC00, v62;
	v40 =	vor.u32 v63, v6;
	v38 =	vadd.s32 v59, v61;
	[tilespmem:$0x250] =	vst v58  }
0x42: {  	v34 =	vor.u32 v34, v1;
	v35 =	vand.u32 $0xFFFFFC00, v45;
	v41 =	vadd.s32 v39, v40;
	[tilespmem:$0x260] =	vst v38  }
0x43: {  	v34 =	vadd.s32 v35, v34;
	[tilespmem:$0x270] =	vst v41  }
0x44: {  	[tilespmem:$0x220] =	vst v34  }
0x45: {  	[tilespmem:s15], [sflag:$0x1] =	stream.indirect.gather [hbm4b:s1+s10], $0x1, s14, s10, $0xb8;
	[tilespmem:$0x680] =	vst v63  }
0x46: {  	_ =	swait.ge [sflag:s16], $0x80  }
0x47: {  	[sflag:s16] =	ssyncset.done $0x0  }
0x48: {  	[sflag:s16] =	ssyncadd.s32 $0xFFFFFF80  }
0x49: {  	v42 =	vld [tilespmem:$0x80]  }
0x4a: {  	v43 =	vld [tilespmem:$0x90]  }
0x4b: {  	v44 =	vld [tilespmem:$0xA0]  }
0x4c: {  	v46 =	vld [tilespmem:$0xB0]  }
0x4d: {  	v48 =	vld [tilespmem:$0xC0]  }
0x4e: {  	v51 =	vld [tilespmem:$0xD0]  }
0x4f: {  	v53 =	vld [tilespmem:$0xE0]  }
0x50: {  	v56 =	vld [tilespmem:$0xF0]  }
0x51: {  	v45 =	vshll.u32 v42, $0x3;
	v32 =	vand.u32 $0x7F, v42;
	v47 =	vshll.u32 v43, $0x3  }
0x52: {  	v33 =	vand.u32 $0x7F, v43;
	v50 =	vshll.u32 v44, $0x3;
	v34 =	vand.u32 $0x7F, v44  }
0x53: {  	v52 =	vshll.u32 v46, $0x3;
	v36 =	vand.u32 $0x7F, v46;
	v55 =	vshll.u32 v48, $0x3  }
0x54: {  	v38 =	vand.u32 $0x7F, v48;
	v61 =	vshll.u32 v51, $0x3;
	v62 =	vand.u32 $0x7F, v51  }
0x55: {  	v43 =	vshll.u32 v53, $0x3;
	v46 =	vand.u32 $0x7F, v53;
	v48 =	vshll.u32 v56, $0x3  }
0x56: {  	v35 =	vand.u32 $0xFFFFFC00, v45;
	v32 =	vor.u32 v32, v7;
	v49 =	vand.u32 $0xFFFFFC00, v47  }
0x57: {  	v33 =	vor.u32 v33, v8;
	v34 =	vor.u32 v34, v9;
	v32 =	vadd.s32 v35, v32  }
0x58: {  	v54 =	vand.u32 $0xFFFFFC00, v52;
	v36 =	vor.u32 v36, v11;
	v33 =	vadd.s32 v49, v33;
	[tilespmem:$0x280] =	vst v32  }
0x59: {  	v58 =	vand.u32 $0xFFFFFC00, v55;
	v59 =	vor.u32 v38, v12;
	v57 =	vadd.s32 v54, v36;
	[tilespmem:$0x290] =	vst v33  }
0x5a: {  	v63 =	vand.u32 $0xFFFFFC00, v61;
	v42 =	vor.u32 v62, v13;
	v60 =	vadd.s32 v58, v59;
	[tilespmem:$0x2B0] =	vst v57  }
0x5b: {  	v45 =	vand.u32 $0xFFFFFC00, v43;
	v47 =	vor.u32 v46, v14;
	v44 =	vadd.s32 v63, v42;
	[tilespmem:$0x2C0] =	vst v60  }
0x5c: {  	v35 =	vand.u32 $0xFFFFFC00, v50;
	v49 =	vand.u32 $0x7F, v56;
	v50 =	vadd.s32 v45, v47;
	[tilespmem:$0x2D0] =	vst v44  }
0x5d: {  	v51 =	vand.u32 $0xFFFFFC00, v48;
	v34 =	vadd.s32 v35, v34;
	v52 =	vor.u32 v49, v15;
	[tilespmem:$0x2E0] =	vst v50  }
0x5e: {  	[tilespmem:$0x2A0] =	vst v34;
	v53 =	vadd.s32 v51, v52  }
0x5f: {  	[tilespmem:$0x2F0] =	vst v53  }
0x60: {  	[tilespmem:s18], [sflag:$0x2] =	stream.indirect.gather [hbm4b:s1+s10], $0x1, s17, s10, $0xb8;
	[tilespmem:$0x680] =	vst v63  }
0x61: {  	_ =	swait.ge [sflag:s19], $0x80  }
0x62: {  	[sflag:s19] =	ssyncset.done $0x0  }
0x63: {  	[sflag:s19] =	ssyncadd.s32 $0xFFFFFF80  }
0x64: {  	v54 =	vld [tilespmem:$0x100]  }
0x65: {  	v55 =	vld [tilespmem:$0x110]  }
0x66: {  	v56 =	vld [tilespmem:$0x120]  }
0x67: {  	v58 =	vld [tilespmem:$0x130]  }
0x68: {  	v60 =	vld [tilespmem:$0x140]  }
0x69: {  	v63 =	vld [tilespmem:$0x150]  }
0x6a: {  	v45 =	vld [tilespmem:$0x160]  }
0x6b: {  	v48 =	vld [tilespmem:$0x170]  }
0x6c: {  	v57 =	vshll.u32 v54, $0x3;
	v32 =	vand.u32 $0x7F, v54;
	v59 =	vshll.u32 v55, $0x3  }
0x6d: {  	v33 =	vand.u32 $0x7F, v55;
	v62 =	vshll.u32 v56, $0x3;
	v34 =	vand.u32 $0x7F, v56  }
0x6e: {  	v44 =	vshll.u32 v58, $0x3;
	v36 =	vand.u32 $0x7F, v58;
	v47 =	vshll.u32 v60, $0x3  }
0x6f: {  	v38 =	vand.u32 $0x7F, v60;
	v53 =	vshll.u32 v63, $0x3;
	v54 =	vand.u32 $0x7F, v63  }
0x70: {  	v60 =	vand.u32 $0x7F, v45;
	v63 =	vand.u32 $0x7F, v48;
	v35 =	vand.u32 $0xFFFFFC00, v57  }
0x71: {  	v32 =	vor.u32 v32, v16;
	v61 =	vand.u32 $0xFFFFFC00, v59;
	v33 =	vor.u32 v33, v17  }
0x72: {  	v34 =	vor.u32 v34, v18;
	v46 =	vand.u32 $0xFFFFFC00, v44;
	v32 =	vadd.s32 v35, v32  }
0x73: {  	v36 =	vor.u32 v36, v19;
	v50 =	vand.u32 $0xFFFFFC00, v47;
	v33 =	vadd.s32 v61, v33;
	[tilespmem:$0x300] =	vst v32  }
0x74: {  	v51 =	vor.u32 v38, v20;
	v55 =	vand.u32 $0xFFFFFC00, v53;
	v49 =	vadd.s32 v46, v36;
	[tilespmem:$0x310] =	vst v33  }
0x75: {  	v56 =	vor.u32 v54, v21;
	v57 =	vshll.u32 v45, $0x3;
	v52 =	vadd.s32 v50, v51;
	[tilespmem:$0x330] =	vst v49  }
0x76: {  	v35 =	vand.u32 $0xFFFFFC00, v62;
	v58 =	vadd.s32 v55, v56;
	v59 =	vand.u32 $0xFFFFFC00, v57;
	[tilespmem:$0x340] =	vst v52  }
0x77: {  	v61 =	vor.u32 v60, v22;
	v62 =	vshll.u32 v48, $0x3;
	v34 =	vadd.s32 v35, v34;
	[tilespmem:$0x350] =	vst v58  }
0x78: {  	v42 =	vor.u32 v63, v23;
	v40 =	vadd.s32 v59, v61;
	v41 =	vand.u32 $0xFFFFFC00, v62;
	[tilespmem:$0x320] =	vst v34  }
0x79: {  	[tilespmem:$0x360] =	vst v40;
	v43 =	vadd.s32 v41, v42  }
0x7a: {  	[tilespmem:$0x370] =	vst v43  }
0x7b: {  	[tilespmem:s21], [sflag:$0x3] =	stream.indirect.gather [hbm4b:s1+s10], $0x1, s20, s10, $0xb8;
	[tilespmem:$0x680] =	vst v63  }
0x7c: {  	_ =	swait.ge [sflag:s22], $0x80  }
0x7d: {  	[sflag:s22] =	ssyncset.done $0x0  }
0x7e: {  	[sflag:s22] =	ssyncadd.s32 $0xFFFFFF80  }
0x7f: {  	v44 =	vld [tilespmem:$0x180]  }
0x80: {  	v45 =	vld [tilespmem:$0x190]  }
0x81: {  	v46 =	vld [tilespmem:$0x1A0]  }
0x82: {  	v48 =	vld [tilespmem:$0x1B0]  }
0x83: {  	v50 =	vld [tilespmem:$0x1C0]  }
0x84: {  	v53 =	vld [tilespmem:$0x1D0]  }
0x85: {  	v55 =	vld [tilespmem:$0x1E0]  }
0x86: {  	v58 =	vld [tilespmem:$0x1F0]  }
0x87: {  	v47 =	vshll.u32 v44, $0x3;
	v32 =	vand.u32 $0x7F, v44;
	v49 =	vshll.u32 v45, $0x3  }
0x88: {  	v33 =	vand.u32 $0x7F, v45;
	v52 =	vshll.u32 v46, $0x3;
	v34 =	vand.u32 $0x7F, v46  }
0x89: {  	v54 =	vshll.u32 v48, $0x3;
	v36 =	vand.u32 $0x7F, v48;
	v57 =	vshll.u32 v50, $0x3  }
0x8a: {  	v38 =	vand.u32 $0x7F, v50;
	v63 =	vshll.u32 v53, $0x3;
	v42 =	vand.u32 $0x7F, v53  }
0x8b: {  	v45 =	vshll.u32 v55, $0x3;
	v48 =	vand.u32 $0x7F, v55;
	v50 =	vshll.u32 v58, $0x3  }
0x8c: {  	v35 =	vand.u32 $0xFFFFFC00, v47;
	v32 =	vor.u32 v32, v24;
	v51 =	vand.u32 $0xFFFFFC00, v49  }
0x8d: {  	v33 =	vor.u32 v33, v25;
	v34 =	vor.u32 v34, v26;
	v32 =	vadd.s32 v35, v32  }
0x8e: {  	v56 =	vand.u32 $0xFFFFFC00, v54;
	v36 =	vor.u32 v36, v27;
	v33 =	vadd.s32 v51, v33;
	[tilespmem:$0x380] =	vst v32  }
0x8f: {  	v60 =	vand.u32 $0xFFFFFC00, v57;
	v61 =	vor.u32 v38, v28;
	v59 =	vadd.s32 v56, v36;
	[tilespmem:$0x390] =	vst v33  }
0x90: {  	v43 =	vand.u32 $0xFFFFFC00, v63;
	v44 =	vor.u32 v42, v29;
	v62 =	vadd.s32 v60, v61;
	[tilespmem:$0x3B0] =	vst v59  }
0x91: {  	v47 =	vand.u32 $0xFFFFFC00, v45;
	v49 =	vor.u32 v48, v30;
	v46 =	vadd.s32 v43, v44;
	[tilespmem:$0x3C0] =	vst v62  }
0x92: {  	v35 =	vand.u32 $0xFFFFFC00, v52;
	v51 =	vand.u32 $0x7F, v58;
	v52 =	vadd.s32 v47, v49;
	[tilespmem:$0x3D0] =	vst v46  }
0x93: {  	v53 =	vand.u32 $0xFFFFFC00, v50;
	v34 =	vadd.s32 v35, v34;
	v54 =	vor.u32 v51, v31;
	[tilespmem:$0x3E0] =	vst v52  }
0x94: {  	[tilespmem:$0x3A0] =	vst v34;
	v55 =	vadd.s32 v53, v54  }
0x95: {  	[tilespmem:$0x3F0] =	vst v55  }
0x96: {  	[tilespmem:s24], [sflag:$0x4] =	stream.indirect.gather [hbm4b:s1+s10], $0x1, s23, s10, $0xb8;
	[tilespmem:$0x680] =	vst v63  }
0x97: {  	_ =	swait.ge [sflag:s25], $0x80  }
0x98: {  	[sflag:s25] =	ssyncset.done $0x0  }
0x99: {  	[sflag:s25] =	ssyncadd.s32 $0xFFFFFF80  }
0x9a: {  	v56 =	vld [tilespmem:$0x400];
	_ =	sdelay $0x1  }
0x9b: {  	v57 =	vld [tilespmem:$0x410];
	_ =	sdelay $0x1  }
0x9c: {  	v58 =	vld [tilespmem:$0x420]  }
0x9d: {  	v32 =	vadd.f32 $0.0e+00, v56  }
0x9e: {  	v59 =	vld [tilespmem:$0x430]  }
0x9f: {  	v32 =	vadd.f32 v57, v32  }
0xa0: {  	v60 =	vld [tilespmem:$0x440]  }
0xa1: {  	v32 =	vadd.f32 v58, v32  }
0xa2: {  	v61 =	vld [tilespmem:$0x450]  }
0xa3: {  	v32 =	vadd.f32 v59, v32  }
0xa4: {  	v62 =	vld [tilespmem:$0x460]  }
0xa5: {  	v63 =	vld [tilespmem:$0x470];
	_ =	swait.ge [sflag:s26], $0x80;
	v32 =	vadd.f32 v60, v32  }
0xa6: {  	[sflag:s26] =	ssyncset.done $0x0  }
0xa7: {  	[sflag:s26] =	ssyncadd.s32 $0xFFFFFF80;
	v32 =	vadd.f32 v61, v32  }
0xa8: {  	v40 =	vld [tilespmem:$0x480]  }
0xa9: {  	v32 =	vadd.f32 v62, v32  }
0xaa: {  	v41 =	vld [tilespmem:$0x490]  }
0xab: {  	v32 =	vadd.f32 v63, v32  }
0xac: {  	v42 =	vld [tilespmem:$0x4A0]  }
0xad: {  	v32 =	vadd.f32 v40, v32  }
0xae: {  	v43 =	vld [tilespmem:$0x4B0]  }
0xaf: {  	v32 =	vadd.f32 v41, v32  }
0xb0: {  	v44 =	vld [tilespmem:$0x4C0]  }
0xb1: {  	v32 =	vadd.f32 v42, v32  }
0xb2: {  	v45 =	vld [tilespmem:$0x4D0]  }
0xb3: {  	v32 =	vadd.f32 v43, v32  }
0xb4: {  	v46 =	vld [tilespmem:$0x4E0]  }
0xb5: {  	v47 =	vld [tilespmem:$0x4F0];
	_ =	swait.ge [sflag:s28], $0x80;
	v32 =	vadd.f32 v44, v32  }
0xb6: {  	[sflag:s28] =	ssyncset.done $0x0  }
0xb7: {  	[sflag:s28] =	ssyncadd.s32 $0xFFFFFF80;
	v32 =	vadd.f32 v45, v32  }
0xb8: {  	v48 =	vld [tilespmem:$0x500]  }
0xb9: {  	v32 =	vadd.f32 v46, v32  }
0xba: {  	v49 =	vld [tilespmem:$0x510]  }
0xbb: {  	v32 =	vadd.f32 v47, v32  }
0xbc: {  	v50 =	vld [tilespmem:$0x520]  }
0xbd: {  	v32 =	vadd.f32 v48, v32  }
0xbe: {  	v51 =	vld [tilespmem:$0x530]  }
0xbf: {  	v32 =	vadd.f32 v49, v32  }
0xc0: {  	v52 =	vld [tilespmem:$0x540]  }
0xc1: {  	v32 =	vadd.f32 v50, v32  }
0xc2: {  	v53 =	vld [tilespmem:$0x550]  }
0xc3: {  	v32 =	vadd.f32 v51, v32  }
0xc4: {  	v54 =	vld [tilespmem:$0x560]  }
0xc5: {  	v55 =	vld [tilespmem:$0x570];
	_ =	swait.ge [sflag:s29], $0x80;
	v32 =	vadd.f32 v52, v32  }
0xc6: {  	[sflag:s29] =	ssyncset.done $0x0  }
0xc7: {  	[sflag:s29] =	ssyncadd.s32 $0xFFFFFF80;
	v32 =	vadd.f32 v53, v32  }
0xc8: {  	v56 =	vld [tilespmem:$0x580]  }
0xc9: {  	v32 =	vadd.f32 v54, v32  }
0xca: {  	v57 =	vld [tilespmem:$0x590]  }
0xcb: {  	v32 =	vadd.f32 v55, v32  }
0xcc: {  	v58 =	vld [tilespmem:$0x5A0]  }
0xcd: {  	v32 =	vadd.f32 v56, v32  }
0xce: {  	v59 =	vld [tilespmem:$0x5B0]  }
0xcf: {  	v32 =	vadd.f32 v57, v32  }
0xd0: {  	v60 =	vld [tilespmem:$0x5C0]  }
0xd1: {  	v32 =	vadd.f32 v58, v32  }
0xd2: {  	v61 =	vld [tilespmem:$0x5D0]  }
0xd3: {  	v32 =	vadd.f32 v59, v32  }
0xd4: {  	v62 =	vld [tilespmem:$0x5E0]  }
0xd5: {  	v32 =	vadd.f32 v60, v32  }
0xd6: {  	v63 =	vld [tilespmem:$0x5F0]  }
0xd7: {  	v32 =	vadd.f32 v61, v32;
	_ =	sdelay $0x1  }
0xd8: {  	v32 =	vadd.f32 v62, v32;
	_ =	sdelay $0x1  }
0xd9: {  	v32 =	vadd.f32 v63, v32  }
0xda: {  	p0 =	sne.s32 s9, $0x1  }
.Ltmp0:
0xdb: {  	[tilespmem:$0x600] =	vst v32;
	(pc) =	sbr.rel @p0 .LBB2_1-.Ltmp0, $4  }
0xdc: {  	[hbm4b:s8+s3] =	stream.linear.scatter [tilespmem:s30], [sflag:$0x9], $0x80, $0x38;
	[tilespmem:$0x680] =	vst v63  }
0xdd: {  	_ =	swait.ge [sflag:s31], $0x80  }
0xde: {  	[sflag:s31] =	ssyncset.done $0x0  }
0xdf: {  	s9 =	sadd.s32 $0xFFFFFFFF, s9;
	[sflag:s31] =	ssyncadd.s32 $0xFFFFFF80  }
0xe0: {  	_ =	sfence.sel $0x180000  }
0xe1: {  	[bflag:$0x0] =	sbarrier.arrive $0xFFFF  }
0xe2: {  	_ =	strace $0x90000047  }
0xe3: {  	s0 =	stileid.u32;
	[bflag:$0x2] =	sbarrier.arrive $0xFFFF  }
0xe4: {  	p0 =	sne.s32 s0, $0x0;
	s0 =	rddreg [dreg:$0x2]  }
0xe5: {  	s0 =	sadd.s32 @!p0 $0x100000, s0  }
0xe6: {  	[sflag:s0] =	ssyncadd.tile.s32 @!p0 $0x1;
	_ =	shalt  }
.Lfunc_end2:
_tile_overlayer_lowered:
.L_overlay_start_2:
0xe7: {  	(tag) =	ssettag $0x2  }
0xe8: {  	s0 =	rddreg [dreg:$0x0];
	s2 =	stileid.u32  }
0xe9: {  	s1 =	rddreg [dreg:$0x1];
	p0 =	sne.s32 s2, $0x0  }
0xea: {  	s3 =	rddreg [dreg:$0x2];
	[bflag:$0x3] =	sbarrier.arrive $0xFFFF;
	s2 =	simm.s32 @!p0 $0x1C09  }
0xeb: {  	[timem:s3], [sflag:s2] =	dma.local @!p0 [hbm:s0], s1  }
0xec: {  	s0 =	simm.s32 @!p0 $0x9  }
0xed: {  	_ =	swait.ge @!p0 [sflag:s0], s1  }
0xee: {  	s1 =	ssub.s32 @!p0 $0x0, s1;
	[sflag:s0] =	ssyncset.done @!p0 $0x0  }
0xef: {  	[sflag:s0] =	ssyncadd.s32 @!p0 s1  }
0xf0: {  	[bflag:$0x3] =	sbarrier.arrive $0xFFFF  }
0xf1: {  	_ =	shalt  }

</sc_bundles>
